<compile_context>
chip_gen: v7x
topology: tpu7x:2x2x1
jax: 0.10.2.dev20260603
libtpu: 0.0.44.dev20260713+nightly
codegen_flags: <defaults>
</compile_context>

<pallas_src>
import functools

import jax
import jax.numpy as jnp
from jax import lax
from jax.experimental import pallas as pl
from jax.experimental.pallas import tpu as pltpu
from jax.experimental.pallas import tpu_sc as plsc

N = 10000
F = 128
E = 320000

NC = 2
NS = 16
NW = NC * NS

CHUNK = 128
NBUF = 2
IDEP = 4
J = 80
E_PAD = NW * CHUNK * J
NPAD = 10240
ROWS_PER_TILE = NPAD // NS
ZCH = 640

_mesh = plsc.VectorSubcoreMesh(core_axis_name="c", subcore_axis_name="s")


@jax.jit
def _sc_aggregate(z, src3, dst3, zeros):
    @functools.partial(
        pl.kernel,
        out_type=jax.ShapeDtypeStruct((NC, NPAD, F), jnp.float32),
        mesh=_mesh,
        scratch_types=[
            pltpu.VMEM((IDEP, CHUNK), jnp.int32),
            pltpu.VMEM((IDEP, CHUNK), jnp.int32),
            pltpu.VMEM((NBUF, CHUNK, F), jnp.float32),
            pltpu.VMEM_SHARED((NPAD, F), jnp.float32),
        ] + [pltpu.SemaphoreType.DMA] * (NBUF + 2 * IDEP + 1),
    )
    def agg_kernel(z_hbm, src_hbm, dst_hbm, zeros_hbm, out_hbm,
                   src_r, dst_r, rows_v, agg_sh, *sems):
        cid = lax.axis_index("c")
        sid = lax.axis_index("s")
        wid = cid * NS + sid
        gsem = sems[:NBUF]
        isem_s = sems[NBUF:NBUF + IDEP]
        isem_d = sems[NBUF + IDEP:NBUF + 2 * IDEP]
        zsem = sems[NBUF + 2 * IDEP]

        def pref_idx(q, j):
            pltpu.async_copy(src_hbm.at[wid, j], src_r.at[q], isem_s[q])
            pltpu.async_copy(dst_hbm.at[wid, j], dst_r.at[q], isem_d[q])

        def gather(b, q, j):
            pltpu.make_async_copy(
                src_hbm.at[wid, j], src_r.at[q], isem_s[q]).wait()
            pltpu.async_copy(z_hbm.at[src_r.at[q]], rows_v.at[b], gsem[b])

        def scatter(b, q, j):
            pltpu.make_async_copy(
                z_hbm.at[src_r.at[q]], rows_v.at[b], gsem[b]).wait()
            pltpu.make_async_copy(
                dst_hbm.at[wid, j], dst_r.at[q], isem_d[q]).wait()
            pltpu.sync_copy(rows_v.at[b], agg_sh.at[dst_r.at[q]], add=True)

        for q in range(IDEP):
            pref_idx(q, q)

        row0 = sid * ROWS_PER_TILE
        pltpu.async_copy(zeros_hbm, agg_sh.at[pl.ds(row0, ZCH)], zsem)

        for b in range(NBUF):
            gather(b, b, b)

        pltpu.make_async_copy(
            zeros_hbm, agg_sh.at[pl.ds(row0, ZCH)], zsem).wait()
        plsc.subcore_barrier()

        @pl.loop(0, J - IDEP, step=IDEP)
        def _(j):
            for b in range(IDEP):
                jb = j + b
                scatter(b % NBUF, b, jb)
                pref_idx(b, jb + IDEP)
                gather(b % NBUF, (b + NBUF) % IDEP, jb + NBUF)

        for b in range(IDEP):
            jb = J - IDEP + b
            scatter(b % NBUF, b, jb)
            if b < IDEP - NBUF:
                gather(b % NBUF, (b + NBUF) % IDEP, jb + NBUF)

        plsc.subcore_barrier()

        @pl.loop(0, ROWS_PER_TILE, step=ZCH)
        def _(r):
            pltpu.sync_copy(agg_sh.at[pl.ds(row0 + r, ZCH)],
                            out_hbm.at[cid, pl.ds(row0 + r, ZCH)])

    return agg_kernel(z, src3, dst3, zeros)


FD = 128

@jax.jit
def _sc_degree(dst3, zeros16, ones16):
    @functools.partial(
        pl.kernel,
        out_type=jax.ShapeDtypeStruct((NC, NPAD, FD), jnp.float32),
        mesh=_mesh,
        scratch_types=[
            pltpu.VMEM((IDEP, CHUNK), jnp.int32),
            pltpu.VMEM((CHUNK, FD), jnp.float32),
            pltpu.VMEM_SHARED((NPAD, FD), jnp.float32),
        ] + [pltpu.SemaphoreType.DMA] * IDEP,
    )
    def deg_kernel(dst_hbm, zeros_hbm, ones_hbm, out_hbm,
                   dst_r, ones_v, deg_sh, *isem):
        cid = lax.axis_index("c")
        sid = lax.axis_index("s")
        wid = cid * NS + sid

        for q in range(IDEP):
            pltpu.async_copy(dst_hbm.at[wid, q], dst_r.at[q], isem[q])
        pltpu.sync_copy(ones_hbm, ones_v)

        row0 = sid * ROWS_PER_TILE
        @pl.loop(0, ROWS_PER_TILE, step=ZCH)
        def _(r):
            pltpu.sync_copy(zeros_hbm, deg_sh.at[pl.ds(row0 + r, ZCH)])

        plsc.subcore_barrier()

        @pl.loop(0, J - IDEP, step=IDEP)
        def _(j):
            for b in range(IDEP):
                pltpu.make_async_copy(
                    dst_hbm.at[wid, j + b], dst_r.at[b], isem[b]).wait()
                pltpu.sync_copy(ones_v, deg_sh.at[dst_r.at[b]], add=True)
                pltpu.async_copy(
                    dst_hbm.at[wid, j + b + IDEP], dst_r.at[b], isem[b])

        for b in range(IDEP):
            jb = J - IDEP + b
            pltpu.make_async_copy(
                dst_hbm.at[wid, jb], dst_r.at[b], isem[b]).wait()
            pltpu.sync_copy(ones_v, deg_sh.at[dst_r.at[b]], add=True)

        plsc.subcore_barrier()

        @pl.loop(0, ROWS_PER_TILE, step=ZCH)
        def _(r):
            pltpu.sync_copy(deg_sh.at[pl.ds(row0 + r, ZCH)],
                            out_hbm.at[cid, pl.ds(row0 + r, ZCH)])

    return deg_kernel(dst3, zeros16, ones16)


BN = 400
NBLK = N // BN

_row = pl.BlockSpec((BN, F), lambda i: (i, 0))
_prt = pl.BlockSpec((NC, BN, F), lambda i: (0, i, 0))
_dis = pl.BlockSpec((BN, 1), lambda i: (i, 0))
_wsp = pl.BlockSpec((F, F), lambda i: (0, 0))
_vec = pl.BlockSpec((1, F), lambda i: (0, 0))

_rowF = jax.ShapeDtypeStruct((N, F), jnp.float32)
_disF = jax.ShapeDtypeStruct((NPAD, 1), jnp.float32)


def _tc_prep(pdeg, x):
    def body(p_ref, x_ref, dis_ref, z_ref):
        deg = p_ref[0, :, 0] + p_ref[1, :, 0]
        dis = jnp.where(deg > 0.0, lax.rsqrt(jnp.maximum(deg, 1.0)), 0.0)
        dis_ref[...] = dis[:, None]
        z_ref[...] = x_ref[...] * dis[:N, None]

    return pl.pallas_call(
        body,
        grid=(1,),
        in_specs=[pl.BlockSpec((NC, NPAD, FD), lambda i: (0, 0, 0)),
                  pl.BlockSpec((N, F), lambda i: (0, 0))],
        out_specs=[pl.BlockSpec((NPAD, 1), lambda i: (0, 0)),
                   pl.BlockSpec((N, F), lambda i: (0, 0))],
        out_shape=[_disF, _rowF],
    )(pdeg, x)


def _tc_step1(P, dis, x, w0, w1):
    def body(p_ref, dis_ref, x_ref, w0_ref, w1_ref, out_ref, t_ref, z_ref):
        d = dis_ref[...]
        s = -(p_ref[0] + p_ref[1]) * d
        t_ref[...] = s
        z_ref[...] = s * d
        out_ref[...] = (
            jnp.dot(x_ref[...], w0_ref[...], preferred_element_type=jnp.float32)
            + jnp.dot(s, w1_ref[...], preferred_element_type=jnp.float32))

    return pl.pallas_call(
        body,
        grid=(NBLK,),
        in_specs=[_prt, _dis, _row, _wsp, _wsp],
        out_specs=[_row, _row, _row],
        out_shape=[_rowF, _rowF, _rowF],
    )(P, dis, x, w0, w1)


def _tc_step_mid(P, dis, tpp, out_in, wk):
    def body(p_ref, dis_ref, tpp_ref, o_ref, wk_ref, out_ref, t_ref, z_ref):
        d = dis_ref[...]
        t = -2.0 * (p_ref[0] + p_ref[1]) * d - tpp_ref[...]
        t_ref[...] = t
        z_ref[...] = t * d
        out_ref[...] = o_ref[...] + jnp.dot(
            t, wk_ref[...], preferred_element_type=jnp.float32)

    return pl.pallas_call(
        body,
        grid=(NBLK,),
        in_specs=[_prt, _dis, _row, _row, _wsp],
        out_specs=[_row, _row, _row],
        out_shape=[_rowF, _rowF, _rowF],
    )(P, dis, tpp, out_in, wk)


def _tc_step_final(P, dis, tpp, out_in, wk, b, gamma, beta, res=None):
    last = res is not None

    def body(*refs):
        if last:
            (p_ref, dis_ref, tpp_ref, o_ref, wk_ref, b_ref, g_ref, be_ref,
             r_ref, y_ref) = refs
        else:
            (p_ref, dis_ref, tpp_ref, o_ref, wk_ref, b_ref, g_ref, be_ref,
             xn_ref, z_ref) = refs
        d = dis_ref[...]
        t = -2.0 * (p_ref[0] + p_ref[1]) * d - tpp_ref[...]
        o = o_ref[...] + jnp.dot(
            t, wk_ref[...], preferred_element_type=jnp.float32) + b_ref[...]
        h = jnp.maximum(o, 0.0)
        mu = jnp.mean(h, axis=-1, keepdims=True)
        var = jnp.mean((h - mu) ** 2, axis=-1, keepdims=True)
        hn = (h - mu) / jnp.sqrt(var + 1e-6) * g_ref[...] + be_ref[...]
        if last:
            y_ref[...] = hn + r_ref[...]
        else:
            xn_ref[...] = hn
            z_ref[...] = hn * d

    in_specs = [_prt, _dis, _row, _row, _wsp, _vec, _vec, _vec]
    args = [P, dis, tpp, out_in, wk, b, gamma, beta]
    if last:
        in_specs.append(_row)
        args.append(res)
        out_specs, out_shape = [_row], [_rowF]
    else:
        out_specs, out_shape = [_row, _row], [_rowF, _rowF]

    result = pl.pallas_call(
        body,
        grid=(NBLK,),
        in_specs=in_specs,
        out_specs=out_specs,
        out_shape=out_shape,
    )(*args)
    return result[0] if last else result


def _cheb_layer(x, z, dis, W, b, gamma, beta, src3, dst3, zeros, res=None):
    K = W.shape[0]
    P = _sc_aggregate(z, src3, dst3, zeros)
    out, t1, z = _tc_step1(P, dis, x, W[0], W[1])
    tprev2, tprev1 = x, t1
    for k in range(2, K - 1):
        P = _sc_aggregate(z, src3, dst3, zeros)
        out, tk, z = _tc_step_mid(P, dis, tprev2, out, W[k])
        tprev2, tprev1 = tprev1, tk
    P = _sc_aggregate(z, src3, dst3, zeros)
    b2 = b.reshape(1, F)
    g2 = gamma.reshape(1, F)
    be2 = beta.reshape(1, F)
    return _tc_step_final(P, dis, tprev2, out, W[K - 1], b2, g2, be2, res=res)


def kernel(x, edge_index, W1, b1, gamma1, beta1, W2, b2, gamma2, beta2):
    src = edge_index[0]
    dst = edge_index[1]
    pad = E_PAD - E
    pad_ar = jnp.arange(pad, dtype=jnp.int32)
    src_p = jnp.concatenate([src, pad_ar % N])
    dst_p = jnp.concatenate([dst, N + pad_ar % (NPAD - N)])
    src3 = src_p.reshape(NW, J, CHUNK)
    dst3 = dst_p.reshape(NW, J, CHUNK)
    zeros = jnp.zeros((ZCH, F), jnp.float32)

    zeros16 = jnp.zeros((ZCH, FD), jnp.float32)
    ones16 = jnp.ones((CHUNK, FD), jnp.float32)
    pdeg = _sc_degree(dst3, zeros16, ones16)
    dis, z0 = _tc_prep(pdeg, x)

    x2, z2 = _cheb_layer(x, z0, dis, W1, b1, gamma1, beta1, src3, dst3, zeros)
    y = _cheb_layer(x2, z2, dis, W2, b2, gamma2, beta2, src3, dst3, zeros,
                    res=x)
    return y

# --- scband reference (transcript-rebuilt; emitter-appended) ---
"""Pipeline reference for scband-residual-conv-block-19756849562053 (READ-ONLY COPY).

The authoritative reference and input builder live on the scoring server;
editing this copy changes nothing except your own understanding.
"""

import jax, jax.numpy as jnp
import numpy as np


def _cheb_conv(x, W, b, src, dst, dis):
    # Chebyshev graph convolution with scaled Laplacian L_tilde = -D^{-1/2} A D^{-1/2}
    # (assumes lmax ~= 2, the standard ChebNet approximation)
    K = W.shape[0]

    def Lx(y):
        ys = y * dis[:, None]
        msg = ys[src]                                  # gather
        agg = jnp.zeros_like(y).at[dst].add(msg)       # scatter-add
        return -(agg * dis[:, None])

    Tx0 = x
    out = Tx0 @ W[0]
    Tx1 = Lx(Tx0)
    out = out + Tx1 @ W[1]
    for k in range(2, K):
        Tx2 = 2.0 * Lx(Tx1) - Tx0
        out = out + Tx2 @ W[k]
        Tx0, Tx1 = Tx1, Tx2
    return out + b


def _layer_norm(y, gamma, beta, eps=1e-6):
    mu = jnp.mean(y, axis=-1, keepdims=True)
    var = jnp.mean((y - mu) ** 2, axis=-1, keepdims=True)
    return (y - mu) / jnp.sqrt(var + eps) * gamma + beta


def setup_inputs(seed: int = 0):
    key = jax.random.key(seed)
    ks = jax.random.split(key, 4)
    N, F, E = 10000, 128, 320000
    x = jax.random.normal(ks[0], (N, F), dtype=jnp.float32)
    edge_index = jax.random.randint(ks[1], (2, E), 0, N, dtype=jnp.int32)
    W1 = jax.random.normal(ks[2], (6, F, F), dtype=jnp.float32) * 0.05
    b1 = jnp.zeros((F,), dtype=jnp.float32)
    gamma1 = jnp.ones((F,), dtype=jnp.float32)
    beta1 = jnp.zeros((F,), dtype=jnp.float32)
    W2 = jax.random.normal(ks[3], (10, F, F), dtype=jnp.float32) * 0.05
    b2 = jnp.zeros((F,), dtype=jnp.float32)
    gamma2 = jnp.ones((F,), dtype=jnp.float32)
    beta2 = jnp.zeros((F,), dtype=jnp.float32)
    return {"x": x, "edge_index": edge_index, "W1": W1, "b1": b1,
            "gamma1": gamma1, "beta1": beta1, "W2": W2, "b2": b2,
            "gamma2": gamma2, "beta2": beta2}


def reference(x, edge_index, W1, b1, gamma1, beta1, W2, b2, gamma2, beta2):
    N = x.shape[0]
    src = edge_index[0]
    dst = edge_index[1]
    deg = jnp.zeros((N,), dtype=x.dtype).at[dst].add(1.0)
    dis = jnp.where(deg > 0, 1.0 / jnp.sqrt(jnp.maximum(deg, 1.0)), 0.0)

    res = x
    # Conv(K=6, Fout=filters) -> act -> norm
    h = _cheb_conv(x, W1, b1, src, dst, dis)
    h = jax.nn.relu(h)
    h = _layer_norm(h, gamma1, beta1)
    # Conv(K=10, Fout=filters) -> act -> norm
    h = _cheb_conv(h, W2, b2, src, dst, dis)
    h = jax.nn.relu(h)
    h = _layer_norm(h, gamma2, beta2)
    # residual add (the `add` helper on 'maps')
    return h + res

if __name__ == "__main__":
    import jax
    _d = setup_inputs()
    print(jax.jit(kernel)(*tuple(_d.values())))

</pallas_src>

<mosaic_0001>
#map = affine_map<(d0, d1) -> (0, 0, 0)>
#map1 = affine_map<(d0, d1) -> (0, 0)>
module attributes {stable_mosaic.version = 14 : i64} {
  func.func @deg_kernel(%arg0: i32, %arg1: i32, %arg2: memref<32x80x128xi32, #tpu.memory_space<hbm>>, %arg3: memref<640x128xf32, #tpu.memory_space<hbm>>, %arg4: memref<128x128xf32, #tpu.memory_space<hbm>>, %arg5: memref<2x10240x128xf32, #tpu.memory_space<hbm>>, %arg6: memref<4x128xi32, #tpu.memory_space<vmem>>, %arg7: memref<128x128xf32, #tpu.memory_space<vmem>>, %arg8: memref<10240x128xf32, #tpu.memory_space<vmem_shared>>, %arg9: memref<!tpu.dma_semaphore, #tpu.memory_space<semaphore_mem>>, %arg10: memref<!tpu.dma_semaphore, #tpu.memory_space<semaphore_mem>>, %arg11: memref<!tpu.dma_semaphore, #tpu.memory_space<semaphore_mem>>, %arg12: memref<!tpu.dma_semaphore, #tpu.memory_space<semaphore_mem>>) attributes {dimension_semantics = [#tpu.dimension_semantics<core_parallel>, #tpu.dimension_semantics<subcore_parallel>], iteration_bounds = array<i64: 2, 16>, scalar_prefetch = 0 : i64, scratch_operands = 7 : i64, tpu.core_type = #tpu.core_type<sc_vector_subcore>, window_params = [{transform_indices = #map}, {transform_indices = #map1}, {transform_indices = #map1}, {transform_indices = #map}]} {
    %mul3A = arith.constant 16 : i32
    %mul3A_0 = arith.muli %arg0, %mul3A : i32
    %add3A = arith.addi %mul3A_0, %arg1 : i32
    %dma_start3A = arith.constant 0 : i32
    %dma_start3A_1 = arith.constant 0 : i32
    %dma_start3A_2 = arith.constant 0 : i32
    %dma_start3A_3 = tpu.memref_slice %arg6[%dma_start3A_1, %dma_start3A_2] : memref<4x128xi32, #tpu.memory_space<vmem>> -> memref<1x128xi32, #tpu.memory_space<vmem>>
    %dma_start3A_4 = tpu.memref_squeeze %dma_start3A_3 : memref<1x128xi32, #tpu.memory_space<vmem>> -> memref<128xi32, #tpu.memory_space<vmem>>
    %dma_start3A_5 = arith.constant 0 : i32
    %dma_start3A_6 = tpu.memref_slice %arg2[%add3A, %dma_start3A, %dma_start3A_5] : memref<32x80x128xi32, #tpu.memory_space<hbm>> -> memref<1x1x128xi32, #tpu.memory_space<hbm>>
    %dma_start3A_7 = tpu.memref_squeeze %dma_start3A_6 : memref<1x1x128xi32, #tpu.memory_space<hbm>> -> memref<128xi32, #tpu.memory_space<hbm>>
    %dma_start3A_8 = arith.constant 0 : i32
    %dma_start3A_9 = tpu.memref_slice %arg6[%dma_start3A_1, %dma_start3A_8] : memref<4x128xi32, #tpu.memory_space<vmem>> -> memref<1x128xi32, #tpu.memory_space<vmem>>
    %dma_start3A_10 = tpu.memref_squeeze %dma_start3A_9 : memref<1x128xi32, #tpu.memory_space<vmem>> -> memref<128xi32, #tpu.memory_space<vmem>>
    %dma_start3A_11 = arith.constant 0 : i32
    %dma_start3A_12 = tpu.memref_slice %arg2[%add3A, %dma_start3A, %dma_start3A_11] : memref<32x80x128xi32, #tpu.memory_space<hbm>> -> memref<1x1x128xi32, #tpu.memory_space<hbm>>
    %dma_start3A_13 = tpu.memref_squeeze %dma_start3A_12 : memref<1x1x128xi32, #tpu.memory_space<hbm>> -> memref<128xi32, #tpu.memory_space<hbm>>
    tpu.enqueue_dma source(%dma_start3A_13 : memref<128xi32, #tpu.memory_space<hbm>>) target(%dma_start3A_10 : memref<128xi32, #tpu.memory_space<vmem>>) target_semaphore(%arg9 : memref<!tpu.dma_semaphore, #tpu.memory_space<semaphore_mem>>)
    %dma_start3A_14 = arith.constant 1 : i32
    %dma_start3A_15 = arith.constant 1 : i32
    %dma_start3A_16 = arith.constant 0 : i32
    %dma_start3A_17 = tpu.memref_slice %arg6[%dma_start3A_15, %dma_start3A_16] : memref<4x128xi32, #tpu.memory_space<vmem>> -> memref<1x128xi32, #tpu.memory_space<vmem>>
    %dma_start3A_18 = tpu.memref_squeeze %dma_start3A_17 : memref<1x128xi32, #tpu.memory_space<vmem>> -> memref<128xi32, #tpu.memory_space<vmem>>
    %dma_start3A_19 = arith.constant 0 : i32
    %dma_start3A_20 = tpu.memref_slice %arg2[%add3A, %dma_start3A_14, %dma_start3A_19] : memref<32x80x128xi32, #tpu.memory_space<hbm>> -> memref<1x1x128xi32, #tpu.memory_space<hbm>>
    %dma_start3A_21 = tpu.memref_squeeze %dma_start3A_20 : memref<1x1x128xi32, #tpu.memory_space<hbm>> -> memref<128xi32, #tpu.memory_space<hbm>>
    %dma_start3A_22 = arith.constant 0 : i32
    %dma_start3A_23 = tpu.memref_slice %arg6[%dma_start3A_15, %dma_start3A_22] : memref<4x128xi32, #tpu.memory_space<vmem>> -> memref<1x128xi32, #tpu.memory_space<vmem>>
    %dma_start3A_24 = tpu.memref_squeeze %dma_start3A_23 : memref<1x128xi32, #tpu.memory_space<vmem>> -> memref<128xi32, #tpu.memory_space<vmem>>
    %dma_start3A_25 = arith.constant 0 : i32
    %dma_start3A_26 = tpu.memref_slice %arg2[%add3A, %dma_start3A_14, %dma_start3A_25] : memref<32x80x128xi32, #tpu.memory_space<hbm>> -> memref<1x1x128xi32, #tpu.memory_space<hbm>>
    %dma_start3A_27 = tpu.memref_squeeze %dma_start3A_26 : memref<1x1x128xi32, #tpu.memory_space<hbm>> -> memref<128xi32, #tpu.memory_space<hbm>>
    tpu.enqueue_dma source(%dma_start3A_27 : memref<128xi32, #tpu.memory_space<hbm>>) target(%dma_start3A_24 : memref<128xi32, #tpu.memory_space<vmem>>) target_semaphore(%arg10 : memref<!tpu.dma_semaphore, #tpu.memory_space<semaphore_mem>>)
    %dma_start3A_28 = arith.constant 2 : i32
    %dma_start3A_29 = arith.constant 2 : i32
    %dma_start3A_30 = arith.constant 0 : i32
    %dma_start3A_31 = tpu.memref_slice %arg6[%dma_start3A_29, %dma_start3A_30] : memref<4x128xi32, #tpu.memory_space<vmem>> -> memref<1x128xi32, #tpu.memory_space<vmem>>
    %dma_start3A_32 = tpu.memref_squeeze %dma_start3A_31 : memref<1x128xi32, #tpu.memory_space<vmem>> -> memref<128xi32, #tpu.memory_space<vmem>>
    %dma_start3A_33 = arith.constant 0 : i32
    %dma_start3A_34 = tpu.memref_slice %arg2[%add3A, %dma_start3A_28, %dma_start3A_33] : memref<32x80x128xi32, #tpu.memory_space<hbm>> -> memref<1x1x128xi32, #tpu.memory_space<hbm>>
    %dma_start3A_35 = tpu.memref_squeeze %dma_start3A_34 : memref<1x1x128xi32, #tpu.memory_space<hbm>> -> memref<128xi32, #tpu.memory_space<hbm>>
    %dma_start3A_36 = arith.constant 0 : i32
    %dma_start3A_37 = tpu.memref_slice %arg6[%dma_start3A_29, %dma_start3A_36] : memref<4x128xi32, #tpu.memory_space<vmem>> -> memref<1x128xi32, #tpu.memory_space<vmem>>
    %dma_start3A_38 = tpu.memref_squeeze %dma_start3A_37 : memref<1x128xi32, #tpu.memory_space<vmem>> -> memref<128xi32, #tpu.memory_space<vmem>>
    %dma_start3A_39 = arith.constant 0 : i32
    %dma_start3A_40 = tpu.memref_slice %arg2[%add3A, %dma_start3A_28, %dma_start3A_39] : memref<32x80x128xi32, #tpu.memory_space<hbm>> -> memref<1x1x128xi32, #tpu.memory_space<hbm>>
    %dma_start3A_41 = tpu.memref_squeeze %dma_start3A_40 : memref<1x1x128xi32, #tpu.memory_space<hbm>> -> memref<128xi32, #tpu.memory_space<hbm>>
    tpu.enqueue_dma source(%dma_start3A_41 : memref<128xi32, #tpu.memory_space<hbm>>) target(%dma_start3A_38 : memref<128xi32, #tpu.memory_space<vmem>>) target_semaphore(%arg11 : memref<!tpu.dma_semaphore, #tpu.memory_space<semaphore_mem>>)
    %dma_start3A_42 = arith.constant 3 : i32
    %dma_start3A_43 = arith.constant 3 : i32
    %dma_start3A_44 = arith.constant 0 : i32
    %dma_start3A_45 = tpu.memref_slice %arg6[%dma_start3A_43, %dma_start3A_44] : memref<4x128xi32, #tpu.memory_space<vmem>> -> memref<1x128xi32, #tpu.memory_space<vmem>>
    %dma_start3A_46 = tpu.memref_squeeze %dma_start3A_45 : memref<1x128xi32, #tpu.memory_space<vmem>> -> memref<128xi32, #tpu.memory_space<vmem>>
    %dma_start3A_47 = arith.constant 0 : i32
    %dma_start3A_48 = tpu.memref_slice %arg2[%add3A, %dma_start3A_42, %dma_start3A_47] : memref<32x80x128xi32, #tpu.memory_space<hbm>> -> memref<1x1x128xi32, #tpu.memory_space<hbm>>
    %dma_start3A_49 = tpu.memref_squeeze %dma_start3A_48 : memref<1x1x128xi32, #tpu.memory_space<hbm>> -> memref<128xi32, #tpu.memory_space<hbm>>
    %dma_start3A_50 = arith.constant 0 : i32
    %dma_start3A_51 = tpu.memref_slice %arg6[%dma_start3A_43, %dma_start3A_50] : memref<4x128xi32, #tpu.memory_space<vmem>> -> memref<1x128xi32, #tpu.memory_space<vmem>>
    %dma_start3A_52 = tpu.memref_squeeze %dma_start3A_51 : memref<1x128xi32, #tpu.memory_space<vmem>> -> memref<128xi32, #tpu.memory_space<vmem>>
    %dma_start3A_53 = arith.constant 0 : i32
    %dma_start3A_54 = tpu.memref_slice %arg2[%add3A, %dma_start3A_42, %dma_start3A_53] : memref<32x80x128xi32, #tpu.memory_space<hbm>> -> memref<1x1x128xi32, #tpu.memory_space<hbm>>
    %dma_start3A_55 = tpu.memref_squeeze %dma_start3A_54 : memref<1x1x128xi32, #tpu.memory_space<hbm>> -> memref<128xi32, #tpu.memory_space<hbm>>
    tpu.enqueue_dma source(%dma_start3A_55 : memref<128xi32, #tpu.memory_space<hbm>>) target(%dma_start3A_52 : memref<128xi32, #tpu.memory_space<vmem>>) target_semaphore(%arg12 : memref<!tpu.dma_semaphore, #tpu.memory_space<semaphore_mem>>)
    "tpu.region"() ({
      %run_scoped3A_136 = tpu.sem_alloc : memref<!tpu.dma_semaphore, #tpu.memory_space<semaphore_mem>>
      tpu.enqueue_dma source(%arg4 : memref<128x128xf32, #tpu.memory_space<hbm>>) target(%arg7 : memref<128x128xf32, #tpu.memory_space<vmem>>) target_semaphore(%run_scoped3A_136 : memref<!tpu.dma_semaphore, #tpu.memory_space<semaphore_mem>>)
      tpu.wait_dma2 semaphore(%run_scoped3A_136 : memref<!tpu.dma_semaphore, #tpu.memory_space<semaphore_mem>>) src(%arg4 : memref<128x128xf32, #tpu.memory_space<hbm>>) dst(%arg7 : memref<128x128xf32, #tpu.memory_space<vmem>>)
      tpu.yield
    }) : () -> ()
    %mul3A_56 = arith.constant 640 : i32
    %mul3A_57 = arith.muli %arg1, %mul3A_56 : i32
    %scan3A = arith.constant 0 : i32
    %mul3A_58 = arith.constant 640 : i32
    %mul3A_59 = arith.muli %scan3A, %mul3A_58 : i32
    %add3A_60 = arith.constant 0 : i32
    %add3A_61 = arith.addi %add3A_60, %mul3A_59 : i32
    %add3A_62 = arith.addi %mul3A_57, %add3A_61 : i32
    "tpu.region"() ({
      %run_scoped3A_136 = tpu.sem_alloc : memref<!tpu.dma_semaphore, #tpu.memory_space<semaphore_mem>>
      %dma_start3A_137 = arith.constant 0 : i32
      %dma_start3A_138 = tpu.memref_slice %arg8[%add3A_62, %dma_start3A_137] : memref<10240x128xf32, #tpu.memory_space<vmem_shared>> -> memref<640x128xf32, #tpu.memory_space<vmem_shared>>
      tpu.enqueue_dma source(%arg3 : memref<640x128xf32, #tpu.memory_space<hbm>>) target(%dma_start3A_138 : memref<640x128xf32, #tpu.memory_space<vmem_shared>>) target_semaphore(%run_scoped3A_136 : memref<!tpu.dma_semaphore, #tpu.memory_space<semaphore_mem>>)
      %dma_wait3A_139 = arith.constant 0 : i32
      %dma_wait3A_140 = tpu.memref_slice %arg8[%add3A_62, %dma_wait3A_139] : memref<10240x128xf32, #tpu.memory_space<vmem_shared>> -> memref<640x128xf32, #tpu.memory_space<vmem_shared>>
      tpu.wait_dma2 semaphore(%run_scoped3A_136 : memref<!tpu.dma_semaphore, #tpu.memory_space<semaphore_mem>>) src(%arg3 : memref<640x128xf32, #tpu.memory_space<hbm>>) dst(%dma_wait3A_140 : memref<640x128xf32, #tpu.memory_space<vmem_shared>>)
      tpu.yield
    }) : () -> ()
    %scan3A_63 = arith.constant 1 : i32
    %barrier3A = arith.constant 0 : index
    tpu.barrier barrier_id(%barrier3A)
    %scan3A_64 = arith.constant 0 : i32
    %scan3A_65 = arith.constant 19 : i32
    %scan3A_66 = arith.addi %scan3A_64, %scan3A_65 : i32
    %scan3A_67 = arith.constant 1 : i32
    scf.for %scan3A_136 = %scan3A_64 to %scan3A_66 step %scan3A_67  : i32 {
      %mul3A_137 = arith.constant 4 : i32
      %mul3A_138 = arith.muli %scan3A_136, %mul3A_137 : i32
      %add3A_139 = arith.constant 0 : i32
      %add3A_140 = arith.addi %add3A_139, %mul3A_138 : i32
      %add3A_141 = arith.constant 0 : i32
      %add3A_142 = arith.addi %add3A_140, %add3A_141 : i32
      %dma_wait3A_143 = arith.constant 0 : i32
      %dma_wait3A_144 = arith.constant 0 : i32
      %dma_wait3A_145 = tpu.memref_slice %arg6[%dma_wait3A_143, %dma_wait3A_144] : memref<4x128xi32, #tpu.memory_space<vmem>> -> memref<1x128xi32, #tpu.memory_space<vmem>>
      %dma_wait3A_146 = tpu.memref_squeeze %dma_wait3A_145 : memref<1x128xi32, #tpu.memory_space<vmem>> -> memref<128xi32, #tpu.memory_space<vmem>>
      %dma_wait3A_147 = arith.constant 0 : i32
      %dma_wait3A_148 = tpu.memref_slice %arg2[%add3A, %add3A_142, %dma_wait3A_147] : memref<32x80x128xi32, #tpu.memory_space<hbm>> -> memref<1x1x128xi32, #tpu.memory_space<hbm>>
      %dma_wait3A_149 = tpu.memref_squeeze %dma_wait3A_148 : memref<1x1x128xi32, #tpu.memory_space<hbm>> -> memref<128xi32, #tpu.memory_space<hbm>>
      %dma_wait3A_150 = arith.constant 0 : i32
      %dma_wait3A_151 = tpu.memref_slice %arg6[%dma_wait3A_143, %dma_wait3A_150] : memref<4x128xi32, #tpu.memory_space<vmem>> -> memref<1x128xi32, #tpu.memory_space<vmem>>
      %dma_wait3A_152 = tpu.memref_squeeze %dma_wait3A_151 : memref<1x128xi32, #tpu.memory_space<vmem>> -> memref<128xi32, #tpu.memory_space<vmem>>
      %dma_wait3A_153 = arith.constant 0 : i32
      %dma_wait3A_154 = tpu.memref_slice %arg2[%add3A, %add3A_142, %dma_wait3A_153] : memref<32x80x128xi32, #tpu.memory_space<hbm>> -> memref<1x1x128xi32, #tpu.memory_space<hbm>>
      %dma_wait3A_155 = tpu.memref_squeeze %dma_wait3A_154 : memref<1x1x128xi32, #tpu.memory_space<hbm>> -> memref<128xi32, #tpu.memory_space<hbm>>
      tpu.wait_dma2 semaphore(%arg9 : memref<!tpu.dma_semaphore, #tpu.memory_space<semaphore_mem>>) src(%dma_wait3A_155 : memref<128xi32, #tpu.memory_space<hbm>>) dst(%dma_wait3A_152 : memref<128xi32, #tpu.memory_space<vmem>>)
      %run_scoped3A_156 = arith.constant 0 : i32
      "tpu.region"() ({
        %run_scoped3A_273 = tpu.sem_alloc : memref<!tpu.dma_semaphore, #tpu.memory_space<semaphore_mem>>
        %dma_start3A_274 = arith.constant 0 : i32
        %dma_start3A_275 = tpu.memref_slice %arg6[%run_scoped3A_156, %dma_start3A_274] : memref<4x128xi32, #tpu.memory_space<vmem>> -> memref<1x128xi32, #tpu.memory_space<vmem>>
        %dma_start3A_276 = tpu.memref_squeeze %dma_start3A_275 : memref<1x128xi32, #tpu.memory_space<vmem>> -> memref<128xi32, #tpu.memory_space<vmem>>
        %dma_start3A_277 = arith.constant 0 : i32
        %dma_start3A_278 = arith.constant 0 : i32
        %dma_start3A_279 = tpu.memref_slice %arg8[%dma_start3A_277, %dma_start3A_278] : memref<10240x128xf32, #tpu.memory_space<vmem_shared>> -> memref<10240x128xf32, #tpu.memory_space<vmem_shared>>
        tpu.enqueue_indirect_dma source(%arg7 : memref<128x128xf32, #tpu.memory_space<vmem>>) target(%dma_start3A_279 : memref<10240x128xf32, #tpu.memory_space<vmem_shared>>) offsets(%dma_start3A_276 : memref<128xi32, #tpu.memory_space<vmem>>) semaphore(%run_scoped3A_273 : memref<!tpu.dma_semaphore, #tpu.memory_space<semaphore_mem>>) {add = true}
        %dma_wait3A_280 = arith.constant 0 : i32
        %dma_wait3A_281 = tpu.memref_slice %arg6[%run_scoped3A_156, %dma_wait3A_280] : memref<4x128xi32, #tpu.memory_space<vmem>> -> memref<1x128xi32, #tpu.memory_space<vmem>>
        %dma_wait3A_282 = tpu.memref_squeeze %dma_wait3A_281 : memref<1x128xi32, #tpu.memory_space<vmem>> -> memref<128xi32, #tpu.memory_space<vmem>>
        %dma_wait3A_283 = arith.constant 0 : i32
        %dma_wait3A_284 = arith.constant 0 : i32
        %dma_wait3A_285 = tpu.memref_slice %arg8[%dma_wait3A_283, %dma_wait3A_284] : memref<10240x128xf32, #tpu.memory_space<vmem_shared>> -> memref<10240x128xf32, #tpu.memory_space<vmem_shared>>
        tpu.wait_indirect_dma semaphore(%run_scoped3A_273 : memref<!tpu.dma_semaphore, #tpu.memory_space<semaphore_mem>>) src(%arg7 : memref<128x128xf32, #tpu.memory_space<vmem>>) dst(%dma_wait3A_285 : memref<10240x128xf32, #tpu.memory_space<vmem_shared>>)
        tpu.yield
      }) : () -> ()
      %add3A_157 = arith.constant 0 : i32
      %add3A_158 = arith.addi %add3A_140, %add3A_157 : i32
      %add3A_159 = arith.constant 4 : i32
      %add3A_160 = arith.addi %add3A_158, %add3A_159 : i32
      %dma_start3A_161 = arith.constant 0 : i32
      %dma_start3A_162 = arith.constant 0 : i32
      %dma_start3A_163 = tpu.memref_slice %arg6[%dma_start3A_161, %dma_start3A_162] : memref<4x128xi32, #tpu.memory_space<vmem>> -> memref<1x128xi32, #tpu.memory_space<vmem>>
      %dma_start3A_164 = tpu.memref_squeeze %dma_start3A_163 : memref<1x128xi32, #tpu.memory_space<vmem>> -> memref<128xi32, #tpu.memory_space<vmem>>
      %dma_start3A_165 = arith.constant 0 : i32
      %dma_start3A_166 = tpu.memref_slice %arg2[%add3A, %add3A_160, %dma_start3A_165] : memref<32x80x128xi32, #tpu.memory_space<hbm>> -> memref<1x1x128xi32, #tpu.memory_space<hbm>>
      %dma_start3A_167 = tpu.memref_squeeze %dma_start3A_166 : memref<1x1x128xi32, #tpu.memory_space<hbm>> -> memref<128xi32, #tpu.memory_space<hbm>>
      %dma_start3A_168 = arith.constant 0 : i32
      %dma_start3A_169 = tpu.memref_slice %arg6[%dma_start3A_161, %dma_start3A_168] : memref<4x128xi32, #tpu.memory_space<vmem>> -> memref<1x128xi32, #tpu.memory_space<vmem>>
      %dma_start3A_170 = tpu.memref_squeeze %dma_start3A_169 : memref<1x128xi32, #tpu.memory_space<vmem>> -> memref<128xi32, #tpu.memory_space<vmem>>
      %dma_start3A_171 = arith.constant 0 : i32
      %dma_start3A_172 = tpu.memref_slice %arg2[%add3A, %add3A_160, %dma_start3A_171] : memref<32x80x128xi32, #tpu.memory_space<hbm>> -> memref<1x1x128xi32, #tpu.memory_space<hbm>>
      %dma_start3A_173 = tpu.memref_squeeze %dma_start3A_172 : memref<1x1x128xi32, #tpu.memory_space<hbm>> -> memref<128xi32, #tpu.memory_space<hbm>>
      tpu.enqueue_dma source(%dma_start3A_173 : memref<128xi32, #tpu.memory_space<hbm>>) target(%dma_start3A_170 : memref<128xi32, #tpu.memory_space<vmem>>) target_semaphore(%arg9 : memref<!tpu.dma_semaphore, #tpu.memory_space<semaphore_mem>>)
      %add3A_174 = arith.constant 1 : i32
      %add3A_175 = arith.addi %add3A_140, %add3A_174 : i32
      %dma_wait3A_176 = arith.constant 1 : i32
      %dma_wait3A_177 = arith.constant 0 : i32
      %dma_wait3A_178 = tpu.memref_slice %arg6[%dma_wait3A_176, %dma_wait3A_177] : memref<4x128xi32, #tpu.memory_space<vmem>> -> memref<1x128xi32, #tpu.memory_space<vmem>>
      %dma_wait3A_179 = tpu.memref_squeeze %dma_wait3A_178 : memref<1x128xi32, #tpu.memory_space<vmem>> -> memref<128xi32, #tpu.memory_space<vmem>>
      %dma_wait3A_180 = arith.constant 0 : i32
      %dma_wait3A_181 = tpu.memref_slice %arg2[%add3A, %add3A_175, %dma_wait3A_180] : memref<32x80x128xi32, #tpu.memory_space<hbm>> -> memref<1x1x128xi32, #tpu.memory_space<hbm>>
      %dma_wait3A_182 = tpu.memref_squeeze %dma_wait3A_181 : memref<1x1x128xi32, #tpu.memory_space<hbm>> -> memref<128xi32, #tpu.memory_space<hbm>>
      %dma_wait3A_183 = arith.constant 0 : i32
      %dma_wait3A_184 = tpu.memref_slice %arg6[%dma_wait3A_176, %dma_wait3A_183] : memref<4x128xi32, #tpu.memory_space<vmem>> -> memref<1x128xi32, #tpu.memory_space<vmem>>
      %dma_wait3A_185 = tpu.memref_squeeze %dma_wait3A_184 : memref<1x128xi32, #tpu.memory_space<vmem>> -> memref<128xi32, #tpu.memory_space<vmem>>
      %dma_wait3A_186 = arith.constant 0 : i32
      %dma_wait3A_187 = tpu.memref_slice %arg2[%add3A, %add3A_175, %dma_wait3A_186] : memref<32x80x128xi32, #tpu.memory_space<hbm>> -> memref<1x1x128xi32, #tpu.memory_space<hbm>>
      %dma_wait3A_188 = tpu.memref_squeeze %dma_wait3A_187 : memref<1x1x128xi32, #tpu.memory_space<hbm>> -> memref<128xi32, #tpu.memory_space<hbm>>
      tpu.wait_dma2 semaphore(%arg10 : memref<!tpu.dma_semaphore, #tpu.memory_space<semaphore_mem>>) src(%dma_wait3A_188 : memref<128xi32, #tpu.memory_space<hbm>>) dst(%dma_wait3A_185 : memref<128xi32, #tpu.memory_space<vmem>>)
      %run_scoped3A_189 = arith.constant 1 : i32
      "tpu.region"() ({
        %run_scoped3A_273 = tpu.sem_alloc : memref<!tpu.dma_semaphore, #tpu.memory_space<semaphore_mem>>
        %dma_start3A_274 = arith.constant 0 : i32
        %dma_start3A_275 = tpu.memref_slice %arg6[%run_scoped3A_189, %dma_start3A_274] : memref<4x128xi32, #tpu.memory_space<vmem>> -> memref<1x128xi32, #tpu.memory_space<vmem>>
        %dma_start3A_276 = tpu.memref_squeeze %dma_start3A_275 : memref<1x128xi32, #tpu.memory_space<vmem>> -> memref<128xi32, #tpu.memory_space<vmem>>
        %dma_start3A_277 = arith.constant 0 : i32
        %dma_start3A_278 = arith.constant 0 : i32
        %dma_start3A_279 = tpu.memref_slice %arg8[%dma_start3A_277, %dma_start3A_278] : memref<10240x128xf32, #tpu.memory_space<vmem_shared>> -> memref<10240x128xf32, #tpu.memory_space<vmem_shared>>
        tpu.enqueue_indirect_dma source(%arg7 : memref<128x128xf32, #tpu.memory_space<vmem>>) target(%dma_start3A_279 : memref<10240x128xf32, #tpu.memory_space<vmem_shared>>) offsets(%dma_start3A_276 : memref<128xi32, #tpu.memory_space<vmem>>) semaphore(%run_scoped3A_273 : memref<!tpu.dma_semaphore, #tpu.memory_space<semaphore_mem>>) {add = true}
        %dma_wait3A_280 = arith.constant 0 : i32
        %dma_wait3A_281 = tpu.memref_slice %arg6[%run_scoped3A_189, %dma_wait3A_280] : memref<4x128xi32, #tpu.memory_space<vmem>> -> memref<1x128xi32, #tpu.memory_space<vmem>>
        %dma_wait3A_282 = tpu.memref_squeeze %dma_wait3A_281 : memref<1x128xi32, #tpu.memory_space<vmem>> -> memref<128xi32, #tpu.memory_space<vmem>>
        %dma_wait3A_283 = arith.constant 0 : i32
        %dma_wait3A_284 = arith.constant 0 : i32
        %dma_wait3A_285 = tpu.memref_slice %arg8[%dma_wait3A_283, %dma_wait3A_284] : memref<10240x128xf32, #tpu.memory_space<vmem_shared>> -> memref<10240x128xf32, #tpu.memory_space<vmem_shared>>
        tpu.wait_indirect_dma semaphore(%run_scoped3A_273 : memref<!tpu.dma_semaphore, #tpu.memory_space<semaphore_mem>>) src(%arg7 : memref<128x128xf32, #tpu.memory_space<vmem>>) dst(%dma_wait3A_285 : memref<10240x128xf32, #tpu.memory_space<vmem_shared>>)
        tpu.yield
      }) : () -> ()
      %add3A_190 = arith.constant 1 : i32
      %add3A_191 = arith.addi %add3A_140, %add3A_190 : i32
      %add3A_192 = arith.constant 4 : i32
      %add3A_193 = arith.addi %add3A_191, %add3A_192 : i32
      %dma_start3A_194 = arith.constant 1 : i32
      %dma_start3A_195 = arith.constant 0 : i32
      %dma_start3A_196 = tpu.memref_slice %arg6[%dma_start3A_194, %dma_start3A_195] : memref<4x128xi32, #tpu.memory_space<vmem>> -> memref<1x128xi32, #tpu.memory_space<vmem>>
      %dma_start3A_197 = tpu.memref_squeeze %dma_start3A_196 : memref<1x128xi32, #tpu.memory_space<vmem>> -> memref<128xi32, #tpu.memory_space<vmem>>
      %dma_start3A_198 = arith.constant 0 : i32
      %dma_start3A_199 = tpu.memref_slice %arg2[%add3A, %add3A_193, %dma_start3A_198] : memref<32x80x128xi32, #tpu.memory_space<hbm>> -> memref<1x1x128xi32, #tpu.memory_space<hbm>>
      %dma_start3A_200 = tpu.memref_squeeze %dma_start3A_199 : memref<1x1x128xi32, #tpu.memory_space<hbm>> -> memref<128xi32, #tpu.memory_space<hbm>>
      %dma_start3A_201 = arith.constant 0 : i32
      %dma_start3A_202 = tpu.memref_slice %arg6[%dma_start3A_194, %dma_start3A_201] : memref<4x128xi32, #tpu.memory_space<vmem>> -> memref<1x128xi32, #tpu.memory_space<vmem>>
      %dma_start3A_203 = tpu.memref_squeeze %dma_start3A_202 : memref<1x128xi32, #tpu.memory_space<vmem>> -> memref<128xi32, #tpu.memory_space<vmem>>
      %dma_start3A_204 = arith.constant 0 : i32
      %dma_start3A_205 = tpu.memref_slice %arg2[%add3A, %add3A_193, %dma_start3A_204] : memref<32x80x128xi32, #tpu.memory_space<hbm>> -> memref<1x1x128xi32, #tpu.memory_space<hbm>>
      %dma_start3A_206 = tpu.memref_squeeze %dma_start3A_205 : memref<1x1x128xi32, #tpu.memory_space<hbm>> -> memref<128xi32, #tpu.memory_space<hbm>>
      tpu.enqueue_dma source(%dma_start3A_206 : memref<128xi32, #tpu.memory_space<hbm>>) target(%dma_start3A_203 : memref<128xi32, #tpu.memory_space<vmem>>) target_semaphore(%arg10 : memref<!tpu.dma_semaphore, #tpu.memory_space<semaphore_mem>>)
      %add3A_207 = arith.constant 2 : i32
      %add3A_208 = arith.addi %add3A_140, %add3A_207 : i32
      %dma_wait3A_209 = arith.constant 2 : i32
      %dma_wait3A_210 = arith.constant 0 : i32
      %dma_wait3A_211 = tpu.memref_slice %arg6[%dma_wait3A_209, %dma_wait3A_210] : memref<4x128xi32, #tpu.memory_space<vmem>> -> memref<1x128xi32, #tpu.memory_space<vmem>>
      %dma_wait3A_212 = tpu.memref_squeeze %dma_wait3A_211 : memref<1x128xi32, #tpu.memory_space<vmem>> -> memref<128xi32, #tpu.memory_space<vmem>>
      %dma_wait3A_213 = arith.constant 0 : i32
      %dma_wait3A_214 = tpu.memref_slice %arg2[%add3A, %add3A_208, %dma_wait3A_213] : memref<32x80x128xi32, #tpu.memory_space<hbm>> -> memref<1x1x128xi32, #tpu.memory_space<hbm>>
      %dma_wait3A_215 = tpu.memref_squeeze %dma_wait3A_214 : memref<1x1x128xi32, #tpu.memory_space<hbm>> -> memref<128xi32, #tpu.memory_space<hbm>>
      %dma_wait3A_216 = arith.constant 0 : i32
      %dma_wait3A_217 = tpu.memref_slice %arg6[%dma_wait3A_209, %dma_wait3A_216] : memref<4x128xi32, #tpu.memory_space<vmem>> -> memref<1x128xi32, #tpu.memory_space<vmem>>
      %dma_wait3A_218 = tpu.memref_squeeze %dma_wait3A_217 : memref<1x128xi32, #tpu.memory_space<vmem>> -> memref<128xi32, #tpu.memory_space<vmem>>
      %dma_wait3A_219 = arith.constant 0 : i32
      %dma_wait3A_220 = tpu.memref_slice %arg2[%add3A, %add3A_208, %dma_wait3A_219] : memref<32x80x128xi32, #tpu.memory_space<hbm>> -> memref<1x1x128xi32, #tpu.memory_space<hbm>>
      %dma_wait3A_221 = tpu.memref_squeeze %dma_wait3A_220 : memref<1x1x128xi32, #tpu.memory_space<hbm>> -> memref<128xi32, #tpu.memory_space<hbm>>
      tpu.wait_dma2 semaphore(%arg11 : memref<!tpu.dma_semaphore, #tpu.memory_space<semaphore_mem>>) src(%dma_wait3A_221 : memref<128xi32, #tpu.memory_space<hbm>>) dst(%dma_wait3A_218 : memref<128xi32, #tpu.memory_space<vmem>>)
      %run_scoped3A_222 = arith.constant 2 : i32
      "tpu.region"() ({
        %run_scoped3A_273 = tpu.sem_alloc : memref<!tpu.dma_semaphore, #tpu.memory_space<semaphore_mem>>
        %dma_start3A_274 = arith.constant 0 : i32
        %dma_start3A_275 = tpu.memref_slice %arg6[%run_scoped3A_222, %dma_start3A_274] : memref<4x128xi32, #tpu.memory_space<vmem>> -> memref<1x128xi32, #tpu.memory_space<vmem>>
        %dma_start3A_276 = tpu.memref_squeeze %dma_start3A_275 : memref<1x128xi32, #tpu.memory_space<vmem>> -> memref<128xi32, #tpu.memory_space<vmem>>
        %dma_start3A_277 = arith.constant 0 : i32
        %dma_start3A_278 = arith.constant 0 : i32
        %dma_start3A_279 = tpu.memref_slice %arg8[%dma_start3A_277, %dma_start3A_278] : memref<10240x128xf32, #tpu.memory_space<vmem_shared>> -> memref<10240x128xf32, #tpu.memory_space<vmem_shared>>
        tpu.enqueue_indirect_dma source(%arg7 : memref<128x128xf32, #tpu.memory_space<vmem>>) target(%dma_start3A_279 : memref<10240x128xf32, #tpu.memory_space<vmem_shared>>) offsets(%dma_start3A_276 : memref<128xi32, #tpu.memory_space<vmem>>) semaphore(%run_scoped3A_273 : memref<!tpu.dma_semaphore, #tpu.memory_space<semaphore_mem>>) {add = true}
        %dma_wait3A_280 = arith.constant 0 : i32
        %dma_wait3A_281 = tpu.memref_slice %arg6[%run_scoped3A_222, %dma_wait3A_280] : memref<4x128xi32, #tpu.memory_space<vmem>> -> memref<1x128xi32, #tpu.memory_space<vmem>>
        %dma_wait3A_282 = tpu.memref_squeeze %dma_wait3A_281 : memref<1x128xi32, #tpu.memory_space<vmem>> -> memref<128xi32, #tpu.memory_space<vmem>>
        %dma_wait3A_283 = arith.constant 0 : i32
        %dma_wait3A_284 = arith.constant 0 : i32
        %dma_wait3A_285 = tpu.memref_slice %arg8[%dma_wait3A_283, %dma_wait3A_284] : memref<10240x128xf32, #tpu.memory_space<vmem_shared>> -> memref<10240x128xf32, #tpu.memory_space<vmem_shared>>
        tpu.wait_indirect_dma semaphore(%run_scoped3A_273 : memref<!tpu.dma_semaphore, #tpu.memory_space<semaphore_mem>>) src(%arg7 : memref<128x128xf32, #tpu.memory_space<vmem>>) dst(%dma_wait3A_285 : memref<10240x128xf32, #tpu.memory_space<vmem_shared>>)
        tpu.yield
      }) : () -> ()
      %add3A_223 = arith.constant 2 : i32
      %add3A_224 = arith.addi %add3A_140, %add3A_223 : i32
      %add3A_225 = arith.constant 4 : i32
      %add3A_226 = arith.addi %add3A_224, %add3A_225 : i32
      %dma_start3A_227 = arith.constant 2 : i32
      %dma_start3A_228 = arith.constant 0 : i32
      %dma_start3A_229 = tpu.memref_slice %arg6[%dma_start3A_227, %dma_start3A_228] : memref<4x128xi32, #tpu.memory_space<vmem>> -> memref<1x128xi32, #tpu.memory_space<vmem>>
      %dma_start3A_230 = tpu.memref_squeeze %dma_start3A_229 : memref<1x128xi32, #tpu.memory_space<vmem>> -> memref<128xi32, #tpu.memory_space<vmem>>
      %dma_start3A_231 = arith.constant 0 : i32
      %dma_start3A_232 = tpu.memref_slice %arg2[%add3A, %add3A_226, %dma_start3A_231] : memref<32x80x128xi32, #tpu.memory_space<hbm>> -> memref<1x1x128xi32, #tpu.memory_space<hbm>>
      %dma_start3A_233 = tpu.memref_squeeze %dma_start3A_232 : memref<1x1x128xi32, #tpu.memory_space<hbm>> -> memref<128xi32, #tpu.memory_space<hbm>>
      %dma_start3A_234 = arith.constant 0 : i32
      %dma_start3A_235 = tpu.memref_slice %arg6[%dma_start3A_227, %dma_start3A_234] : memref<4x128xi32, #tpu.memory_space<vmem>> -> memref<1x128xi32, #tpu.memory_space<vmem>>
      %dma_start3A_236 = tpu.memref_squeeze %dma_start3A_235 : memref<1x128xi32, #tpu.memory_space<vmem>> -> memref<128xi32, #tpu.memory_space<vmem>>
      %dma_start3A_237 = arith.constant 0 : i32
      %dma_start3A_238 = tpu.memref_slice %arg2[%add3A, %add3A_226, %dma_start3A_237] : memref<32x80x128xi32, #tpu.memory_space<hbm>> -> memref<1x1x128xi32, #tpu.memory_space<hbm>>
      %dma_start3A_239 = tpu.memref_squeeze %dma_start3A_238 : memref<1x1x128xi32, #tpu.memory_space<hbm>> -> memref<128xi32, #tpu.memory_space<hbm>>
      tpu.enqueue_dma source(%dma_start3A_239 : memref<128xi32, #tpu.memory_space<hbm>>) target(%dma_start3A_236 : memref<128xi32, #tpu.memory_space<vmem>>) target_semaphore(%arg11 : memref<!tpu.dma_semaphore, #tpu.memory_space<semaphore_mem>>)
      %add3A_240 = arith.constant 3 : i32
      %add3A_241 = arith.addi %add3A_140, %add3A_240 : i32
      %dma_wait3A_242 = arith.constant 3 : i32
      %dma_wait3A_243 = arith.constant 0 : i32
      %dma_wait3A_244 = tpu.memref_slice %arg6[%dma_wait3A_242, %dma_wait3A_243] : memref<4x128xi32, #tpu.memory_space<vmem>> -> memref<1x128xi32, #tpu.memory_space<vmem>>
      %dma_wait3A_245 = tpu.memref_squeeze %dma_wait3A_244 : memref<1x128xi32, #tpu.memory_space<vmem>> -> memref<128xi32, #tpu.memory_space<vmem>>
      %dma_wait3A_246 = arith.constant 0 : i32
      %dma_wait3A_247 = tpu.memref_slice %arg2[%add3A, %add3A_241, %dma_wait3A_246] : memref<32x80x128xi32, #tpu.memory_space<hbm>> -> memref<1x1x128xi32, #tpu.memory_space<hbm>>
      %dma_wait3A_248 = tpu.memref_squeeze %dma_wait3A_247 : memref<1x1x128xi32, #tpu.memory_space<hbm>> -> memref<128xi32, #tpu.memory_space<hbm>>
      %dma_wait3A_249 = arith.constant 0 : i32
      %dma_wait3A_250 = tpu.memref_slice %arg6[%dma_wait3A_242, %dma_wait3A_249] : memref<4x128xi32, #tpu.memory_space<vmem>> -> memref<1x128xi32, #tpu.memory_space<vmem>>
      %dma_wait3A_251 = tpu.memref_squeeze %dma_wait3A_250 : memref<1x128xi32, #tpu.memory_space<vmem>> -> memref<128xi32, #tpu.memory_space<vmem>>
      %dma_wait3A_252 = arith.constant 0 : i32
      %dma_wait3A_253 = tpu.memref_slice %arg2[%add3A, %add3A_241, %dma_wait3A_252] : memref<32x80x128xi32, #tpu.memory_space<hbm>> -> memref<1x1x128xi32, #tpu.memory_space<hbm>>
      %dma_wait3A_254 = tpu.memref_squeeze %dma_wait3A_253 : memref<1x1x128xi32, #tpu.memory_space<hbm>> -> memref<128xi32, #tpu.memory_space<hbm>>
      tpu.wait_dma2 semaphore(%arg12 : memref<!tpu.dma_semaphore, #tpu.memory_space<semaphore_mem>>) src(%dma_wait3A_254 : memref<128xi32, #tpu.memory_space<hbm>>) dst(%dma_wait3A_251 : memref<128xi32, #tpu.memory_space<vmem>>)
      %run_scoped3A_255 = arith.constant 3 : i32
      "tpu.region"() ({
        %run_scoped3A_273 = tpu.sem_alloc : memref<!tpu.dma_semaphore, #tpu.memory_space<semaphore_mem>>
        %dma_start3A_274 = arith.constant 0 : i32
        %dma_start3A_275 = tpu.memref_slice %arg6[%run_scoped3A_255, %dma_start3A_274] : memref<4x128xi32, #tpu.memory_space<vmem>> -> memref<1x128xi32, #tpu.memory_space<vmem>>
        %dma_start3A_276 = tpu.memref_squeeze %dma_start3A_275 : memref<1x128xi32, #tpu.memory_space<vmem>> -> memref<128xi32, #tpu.memory_space<vmem>>
        %dma_start3A_277 = arith.constant 0 : i32
        %dma_start3A_278 = arith.constant 0 : i32
        %dma_start3A_279 = tpu.memref_slice %arg8[%dma_start3A_277, %dma_start3A_278] : memref<10240x128xf32, #tpu.memory_space<vmem_shared>> -> memref<10240x128xf32, #tpu.memory_space<vmem_shared>>
        tpu.enqueue_indirect_dma source(%arg7 : memref<128x128xf32, #tpu.memory_space<vmem>>) target(%dma_start3A_279 : memref<10240x128xf32, #tpu.memory_space<vmem_shared>>) offsets(%dma_start3A_276 : memref<128xi32, #tpu.memory_space<vmem>>) semaphore(%run_scoped3A_273 : memref<!tpu.dma_semaphore, #tpu.memory_space<semaphore_mem>>) {add = true}
        %dma_wait3A_280 = arith.constant 0 : i32
        %dma_wait3A_281 = tpu.memref_slice %arg6[%run_scoped3A_255, %dma_wait3A_280] : memref<4x128xi32, #tpu.memory_space<vmem>> -> memref<1x128xi32, #tpu.memory_space<vmem>>
        %dma_wait3A_282 = tpu.memref_squeeze %dma_wait3A_281 : memref<1x128xi32, #tpu.memory_space<vmem>> -> memref<128xi32, #tpu.memory_space<vmem>>
        %dma_wait3A_283 = arith.constant 0 : i32
        %dma_wait3A_284 = arith.constant 0 : i32
        %dma_wait3A_285 = tpu.memref_slice %arg8[%dma_wait3A_283, %dma_wait3A_284] : memref<10240x128xf32, #tpu.memory_space<vmem_shared>> -> memref<10240x128xf32, #tpu.memory_space<vmem_shared>>
        tpu.wait_indirect_dma semaphore(%run_scoped3A_273 : memref<!tpu.dma_semaphore, #tpu.memory_space<semaphore_mem>>) src(%arg7 : memref<128x128xf32, #tpu.memory_space<vmem>>) dst(%dma_wait3A_285 : memref<10240x128xf32, #tpu.memory_space<vmem_shared>>)
        tpu.yield
      }) : () -> ()
      %add3A_256 = arith.constant 3 : i32
      %add3A_257 = arith.addi %add3A_140, %add3A_256 : i32
      %add3A_258 = arith.constant 4 : i32
      %add3A_259 = arith.addi %add3A_257, %add3A_258 : i32
      %dma_start3A_260 = arith.constant 3 : i32
      %dma_start3A_261 = arith.constant 0 : i32
      %dma_start3A_262 = tpu.memref_slice %arg6[%dma_start3A_260, %dma_start3A_261] : memref<4x128xi32, #tpu.memory_space<vmem>> -> memref<1x128xi32, #tpu.memory_space<vmem>>
      %dma_start3A_263 = tpu.memref_squeeze %dma_start3A_262 : memref<1x128xi32, #tpu.memory_space<vmem>> -> memref<128xi32, #tpu.memory_space<vmem>>
      %dma_start3A_264 = arith.constant 0 : i32
      %dma_start3A_265 = tpu.memref_slice %arg2[%add3A, %add3A_259, %dma_start3A_264] : memref<32x80x128xi32, #tpu.memory_space<hbm>> -> memref<1x1x128xi32, #tpu.memory_space<hbm>>
      %dma_start3A_266 = tpu.memref_squeeze %dma_start3A_265 : memref<1x1x128xi32, #tpu.memory_space<hbm>> -> memref<128xi32, #tpu.memory_space<hbm>>
      %dma_start3A_267 = arith.constant 0 : i32
      %dma_start3A_268 = tpu.memref_slice %arg6[%dma_start3A_260, %dma_start3A_267] : memref<4x128xi32, #tpu.memory_space<vmem>> -> memref<1x128xi32, #tpu.memory_space<vmem>>
      %dma_start3A_269 = tpu.memref_squeeze %dma_start3A_268 : memref<1x128xi32, #tpu.memory_space<vmem>> -> memref<128xi32, #tpu.memory_space<vmem>>
      %dma_start3A_270 = arith.constant 0 : i32
      %dma_start3A_271 = tpu.memref_slice %arg2[%add3A, %add3A_259, %dma_start3A_270] : memref<32x80x128xi32, #tpu.memory_space<hbm>> -> memref<1x1x128xi32, #tpu.memory_space<hbm>>
      %dma_start3A_272 = tpu.memref_squeeze %dma_start3A_271 : memref<1x1x128xi32, #tpu.memory_space<hbm>> -> memref<128xi32, #tpu.memory_space<hbm>>
      tpu.enqueue_dma source(%dma_start3A_272 : memref<128xi32, #tpu.memory_space<hbm>>) target(%dma_start3A_269 : memref<128xi32, #tpu.memory_space<vmem>>) target_semaphore(%arg12 : memref<!tpu.dma_semaphore, #tpu.memory_space<semaphore_mem>>)
    }
    %scan3A_68 = arith.constant 19 : i32
    %dma_wait3A = arith.constant 76 : i32
    %dma_wait3A_69 = arith.constant 0 : i32
    %dma_wait3A_70 = arith.constant 0 : i32
    %dma_wait3A_71 = tpu.memref_slice %arg6[%dma_wait3A_69, %dma_wait3A_70] : memref<4x128xi32, #tpu.memory_space<vmem>> -> memref<1x128xi32, #tpu.memory_space<vmem>>
    %dma_wait3A_72 = tpu.memref_squeeze %dma_wait3A_71 : memref<1x128xi32, #tpu.memory_space<vmem>> -> memref<128xi32, #tpu.memory_space<vmem>>
    %dma_wait3A_73 = arith.constant 0 : i32
    %dma_wait3A_74 = tpu.memref_slice %arg2[%add3A, %dma_wait3A, %dma_wait3A_73] : memref<32x80x128xi32, #tpu.memory_space<hbm>> -> memref<1x1x128xi32, #tpu.memory_space<hbm>>
    %dma_wait3A_75 = tpu.memref_squeeze %dma_wait3A_74 : memref<1x1x128xi32, #tpu.memory_space<hbm>> -> memref<128xi32, #tpu.memory_space<hbm>>
    %dma_wait3A_76 = arith.constant 0 : i32
    %dma_wait3A_77 = tpu.memref_slice %arg6[%dma_wait3A_69, %dma_wait3A_76] : memref<4x128xi32, #tpu.memory_space<vmem>> -> memref<1x128xi32, #tpu.memory_space<vmem>>
    %dma_wait3A_78 = tpu.memref_squeeze %dma_wait3A_77 : memref<1x128xi32, #tpu.memory_space<vmem>> -> memref<128xi32, #tpu.memory_space<vmem>>
    %dma_wait3A_79 = arith.constant 0 : i32
    %dma_wait3A_80 = tpu.memref_slice %arg2[%add3A, %dma_wait3A, %dma_wait3A_79] : memref<32x80x128xi32, #tpu.memory_space<hbm>> -> memref<1x1x128xi32, #tpu.memory_space<hbm>>
    %dma_wait3A_81 = tpu.memref_squeeze %dma_wait3A_80 : memref<1x1x128xi32, #tpu.memory_space<hbm>> -> memref<128xi32, #tpu.memory_space<hbm>>
    tpu.wait_dma2 semaphore(%arg9 : memref<!tpu.dma_semaphore, #tpu.memory_space<semaphore_mem>>) src(%dma_wait3A_81 : memref<128xi32, #tpu.memory_space<hbm>>) dst(%dma_wait3A_78 : memref<128xi32, #tpu.memory_space<vmem>>)
    %run_scoped3A = arith.constant 0 : i32
    "tpu.region"() ({
      %run_scoped3A_136 = tpu.sem_alloc : memref<!tpu.dma_semaphore, #tpu.memory_space<semaphore_mem>>
      %dma_start3A_137 = arith.constant 0 : i32
      %dma_start3A_138 = tpu.memref_slice %arg6[%run_scoped3A, %dma_start3A_137] : memref<4x128xi32, #tpu.memory_space<vmem>> -> memref<1x128xi32, #tpu.memory_space<vmem>>
      %dma_start3A_139 = tpu.memref_squeeze %dma_start3A_138 : memref<1x128xi32, #tpu.memory_space<vmem>> -> memref<128xi32, #tpu.memory_space<vmem>>
      %dma_start3A_140 = arith.constant 0 : i32
      %dma_start3A_141 = arith.constant 0 : i32
      %dma_start3A_142 = tpu.memref_slice %arg8[%dma_start3A_140, %dma_start3A_141] : memref<10240x128xf32, #tpu.memory_space<vmem_shared>> -> memref<10240x128xf32, #tpu.memory_space<vmem_shared>>
      tpu.enqueue_indirect_dma source(%arg7 : memref<128x128xf32, #tpu.memory_space<vmem>>) target(%dma_start3A_142 : memref<10240x128xf32, #tpu.memory_space<vmem_shared>>) offsets(%dma_start3A_139 : memref<128xi32, #tpu.memory_space<vmem>>) semaphore(%run_scoped3A_136 : memref<!tpu.dma_semaphore, #tpu.memory_space<semaphore_mem>>) {add = true}
      %dma_wait3A_143 = arith.constant 0 : i32
      %dma_wait3A_144 = tpu.memref_slice %arg6[%run_scoped3A, %dma_wait3A_143] : memref<4x128xi32, #tpu.memory_space<vmem>> -> memref<1x128xi32, #tpu.memory_space<vmem>>
      %dma_wait3A_145 = tpu.memref_squeeze %dma_wait3A_144 : memref<1x128xi32, #tpu.memory_space<vmem>> -> memref<128xi32, #tpu.memory_space<vmem>>
      %dma_wait3A_146 = arith.constant 0 : i32
      %dma_wait3A_147 = arith.constant 0 : i32
      %dma_wait3A_148 = tpu.memref_slice %arg8[%dma_wait3A_146, %dma_wait3A_147] : memref<10240x128xf32, #tpu.memory_space<vmem_shared>> -> memref<10240x128xf32, #tpu.memory_space<vmem_shared>>
      tpu.wait_indirect_dma semaphore(%run_scoped3A_136 : memref<!tpu.dma_semaphore, #tpu.memory_space<semaphore_mem>>) src(%arg7 : memref<128x128xf32, #tpu.memory_space<vmem>>) dst(%dma_wait3A_148 : memref<10240x128xf32, #tpu.memory_space<vmem_shared>>)
      tpu.yield
    }) : () -> ()
    %dma_wait3A_82 = arith.constant 77 : i32
    %dma_wait3A_83 = arith.constant 1 : i32
    %dma_wait3A_84 = arith.constant 0 : i32
    %dma_wait3A_85 = tpu.memref_slice %arg6[%dma_wait3A_83, %dma_wait3A_84] : memref<4x128xi32, #tpu.memory_space<vmem>> -> memref<1x128xi32, #tpu.memory_space<vmem>>
    %dma_wait3A_86 = tpu.memref_squeeze %dma_wait3A_85 : memref<1x128xi32, #tpu.memory_space<vmem>> -> memref<128xi32, #tpu.memory_space<vmem>>
    %dma_wait3A_87 = arith.constant 0 : i32
    %dma_wait3A_88 = tpu.memref_slice %arg2[%add3A, %dma_wait3A_82, %dma_wait3A_87] : memref<32x80x128xi32, #tpu.memory_space<hbm>> -> memref<1x1x128xi32, #tpu.memory_space<hbm>>
    %dma_wait3A_89 = tpu.memref_squeeze %dma_wait3A_88 : memref<1x1x128xi32, #tpu.memory_space<hbm>> -> memref<128xi32, #tpu.memory_space<hbm>>
    %dma_wait3A_90 = arith.constant 0 : i32
    %dma_wait3A_91 = tpu.memref_slice %arg6[%dma_wait3A_83, %dma_wait3A_90] : memref<4x128xi32, #tpu.memory_space<vmem>> -> memref<1x128xi32, #tpu.memory_space<vmem>>
    %dma_wait3A_92 = tpu.memref_squeeze %dma_wait3A_91 : memref<1x128xi32, #tpu.memory_space<vmem>> -> memref<128xi32, #tpu.memory_space<vmem>>
    %dma_wait3A_93 = arith.constant 0 : i32
    %dma_wait3A_94 = tpu.memref_slice %arg2[%add3A, %dma_wait3A_82, %dma_wait3A_93] : memref<32x80x128xi32, #tpu.memory_space<hbm>> -> memref<1x1x128xi32, #tpu.memory_space<hbm>>
    %dma_wait3A_95 = tpu.memref_squeeze %dma_wait3A_94 : memref<1x1x128xi32, #tpu.memory_space<hbm>> -> memref<128xi32, #tpu.memory_space<hbm>>
    tpu.wait_dma2 semaphore(%arg10 : memref<!tpu.dma_semaphore, #tpu.memory_space<semaphore_mem>>) src(%dma_wait3A_95 : memref<128xi32, #tpu.memory_space<hbm>>) dst(%dma_wait3A_92 : memref<128xi32, #tpu.memory_space<vmem>>)
    %run_scoped3A_96 = arith.constant 1 : i32
    "tpu.region"() ({
      %run_scoped3A_136 = tpu.sem_alloc : memref<!tpu.dma_semaphore, #tpu.memory_space<semaphore_mem>>
      %dma_start3A_137 = arith.constant 0 : i32
      %dma_start3A_138 = tpu.memref_slice %arg6[%run_scoped3A_96, %dma_start3A_137] : memref<4x128xi32, #tpu.memory_space<vmem>> -> memref<1x128xi32, #tpu.memory_space<vmem>>
      %dma_start3A_139 = tpu.memref_squeeze %dma_start3A_138 : memref<1x128xi32, #tpu.memory_space<vmem>> -> memref<128xi32, #tpu.memory_space<vmem>>
      %dma_start3A_140 = arith.constant 0 : i32
      %dma_start3A_141 = arith.constant 0 : i32
      %dma_start3A_142 = tpu.memref_slice %arg8[%dma_start3A_140, %dma_start3A_141] : memref<10240x128xf32, #tpu.memory_space<vmem_shared>> -> memref<10240x128xf32, #tpu.memory_space<vmem_shared>>
      tpu.enqueue_indirect_dma source(%arg7 : memref<128x128xf32, #tpu.memory_space<vmem>>) target(%dma_start3A_142 : memref<10240x128xf32, #tpu.memory_space<vmem_shared>>) offsets(%dma_start3A_139 : memref<128xi32, #tpu.memory_space<vmem>>) semaphore(%run_scoped3A_136 : memref<!tpu.dma_semaphore, #tpu.memory_space<semaphore_mem>>) {add = true}
      %dma_wait3A_143 = arith.constant 0 : i32
      %dma_wait3A_144 = tpu.memref_slice %arg6[%run_scoped3A_96, %dma_wait3A_143] : memref<4x128xi32, #tpu.memory_space<vmem>> -> memref<1x128xi32, #tpu.memory_space<vmem>>
      %dma_wait3A_145 = tpu.memref_squeeze %dma_wait3A_144 : memref<1x128xi32, #tpu.memory_space<vmem>> -> memref<128xi32, #tpu.memory_space<vmem>>
      %dma_wait3A_146 = arith.constant 0 : i32
      %dma_wait3A_147 = arith.constant 0 : i32
      %dma_wait3A_148 = tpu.memref_slice %arg8[%dma_wait3A_146, %dma_wait3A_147] : memref<10240x128xf32, #tpu.memory_space<vmem_shared>> -> memref<10240x128xf32, #tpu.memory_space<vmem_shared>>
      tpu.wait_indirect_dma semaphore(%run_scoped3A_136 : memref<!tpu.dma_semaphore, #tpu.memory_space<semaphore_mem>>) src(%arg7 : memref<128x128xf32, #tpu.memory_space<vmem>>) dst(%dma_wait3A_148 : memref<10240x128xf32, #tpu.memory_space<vmem_shared>>)
      tpu.yield
    }) : () -> ()
    %dma_wait3A_97 = arith.constant 78 : i32
    %dma_wait3A_98 = arith.constant 2 : i32
    %dma_wait3A_99 = arith.constant 0 : i32
    %dma_wait3A_100 = tpu.memref_slice %arg6[%dma_wait3A_98, %dma_wait3A_99] : memref<4x128xi32, #tpu.memory_space<vmem>> -> memref<1x128xi32, #tpu.memory_space<vmem>>
    %dma_wait3A_101 = tpu.memref_squeeze %dma_wait3A_100 : memref<1x128xi32, #tpu.memory_space<vmem>> -> memref<128xi32, #tpu.memory_space<vmem>>
    %dma_wait3A_102 = arith.constant 0 : i32
    %dma_wait3A_103 = tpu.memref_slice %arg2[%add3A, %dma_wait3A_97, %dma_wait3A_102] : memref<32x80x128xi32, #tpu.memory_space<hbm>> -> memref<1x1x128xi32, #tpu.memory_space<hbm>>
    %dma_wait3A_104 = tpu.memref_squeeze %dma_wait3A_103 : memref<1x1x128xi32, #tpu.memory_space<hbm>> -> memref<128xi32, #tpu.memory_space<hbm>>
    %dma_wait3A_105 = arith.constant 0 : i32
    %dma_wait3A_106 = tpu.memref_slice %arg6[%dma_wait3A_98, %dma_wait3A_105] : memref<4x128xi32, #tpu.memory_space<vmem>> -> memref<1x128xi32, #tpu.memory_space<vmem>>
    %dma_wait3A_107 = tpu.memref_squeeze %dma_wait3A_106 : memref<1x128xi32, #tpu.memory_space<vmem>> -> memref<128xi32, #tpu.memory_space<vmem>>
    %dma_wait3A_108 = arith.constant 0 : i32
    %dma_wait3A_109 = tpu.memref_slice %arg2[%add3A, %dma_wait3A_97, %dma_wait3A_108] : memref<32x80x128xi32, #tpu.memory_space<hbm>> -> memref<1x1x128xi32, #tpu.memory_space<hbm>>
    %dma_wait3A_110 = tpu.memref_squeeze %dma_wait3A_109 : memref<1x1x128xi32, #tpu.memory_space<hbm>> -> memref<128xi32, #tpu.memory_space<hbm>>
    tpu.wait_dma2 semaphore(%arg11 : memref<!tpu.dma_semaphore, #tpu.memory_space<semaphore_mem>>) src(%dma_wait3A_110 : memref<128xi32, #tpu.memory_space<hbm>>) dst(%dma_wait3A_107 : memref<128xi32, #tpu.memory_space<vmem>>)
    %run_scoped3A_111 = arith.constant 2 : i32
    "tpu.region"() ({
      %run_scoped3A_136 = tpu.sem_alloc : memref<!tpu.dma_semaphore, #tpu.memory_space<semaphore_mem>>
      %dma_start3A_137 = arith.constant 0 : i32
      %dma_start3A_138 = tpu.memref_slice %arg6[%run_scoped3A_111, %dma_start3A_137] : memref<4x128xi32, #tpu.memory_space<vmem>> -> memref<1x128xi32, #tpu.memory_space<vmem>>
      %dma_start3A_139 = tpu.memref_squeeze %dma_start3A_138 : memref<1x128xi32, #tpu.memory_space<vmem>> -> memref<128xi32, #tpu.memory_space<vmem>>
      %dma_start3A_140 = arith.constant 0 : i32
      %dma_start3A_141 = arith.constant 0 : i32
      %dma_start3A_142 = tpu.memref_slice %arg8[%dma_start3A_140, %dma_start3A_141] : memref<10240x128xf32, #tpu.memory_space<vmem_shared>> -> memref<10240x128xf32, #tpu.memory_space<vmem_shared>>
      tpu.enqueue_indirect_dma source(%arg7 : memref<128x128xf32, #tpu.memory_space<vmem>>) target(%dma_start3A_142 : memref<10240x128xf32, #tpu.memory_space<vmem_shared>>) offsets(%dma_start3A_139 : memref<128xi32, #tpu.memory_space<vmem>>) semaphore(%run_scoped3A_136 : memref<!tpu.dma_semaphore, #tpu.memory_space<semaphore_mem>>) {add = true}
      %dma_wait3A_143 = arith.constant 0 : i32
      %dma_wait3A_144 = tpu.memref_slice %arg6[%run_scoped3A_111, %dma_wait3A_143] : memref<4x128xi32, #tpu.memory_space<vmem>> -> memref<1x128xi32, #tpu.memory_space<vmem>>
      %dma_wait3A_145 = tpu.memref_squeeze %dma_wait3A_144 : memref<1x128xi32, #tpu.memory_space<vmem>> -> memref<128xi32, #tpu.memory_space<vmem>>
      %dma_wait3A_146 = arith.constant 0 : i32
      %dma_wait3A_147 = arith.constant 0 : i32
      %dma_wait3A_148 = tpu.memref_slice %arg8[%dma_wait3A_146, %dma_wait3A_147] : memref<10240x128xf32, #tpu.memory_space<vmem_shared>> -> memref<10240x128xf32, #tpu.memory_space<vmem_shared>>
      tpu.wait_indirect_dma semaphore(%run_scoped3A_136 : memref<!tpu.dma_semaphore, #tpu.memory_space<semaphore_mem>>) src(%arg7 : memref<128x128xf32, #tpu.memory_space<vmem>>) dst(%dma_wait3A_148 : memref<10240x128xf32, #tpu.memory_space<vmem_shared>>)
      tpu.yield
    }) : () -> ()
    %dma_wait3A_112 = arith.constant 79 : i32
    %dma_wait3A_113 = arith.constant 3 : i32
    %dma_wait3A_114 = arith.constant 0 : i32
    %dma_wait3A_115 = tpu.memref_slice %arg6[%dma_wait3A_113, %dma_wait3A_114] : memref<4x128xi32, #tpu.memory_space<vmem>> -> memref<1x128xi32, #tpu.memory_space<vmem>>
    %dma_wait3A_116 = tpu.memref_squeeze %dma_wait3A_115 : memref<1x128xi32, #tpu.memory_space<vmem>> -> memref<128xi32, #tpu.memory_space<vmem>>
    %dma_wait3A_117 = arith.constant 0 : i32
    %dma_wait3A_118 = tpu.memref_slice %arg2[%add3A, %dma_wait3A_112, %dma_wait3A_117] : memref<32x80x128xi32, #tpu.memory_space<hbm>> -> memref<1x1x128xi32, #tpu.memory_space<hbm>>
    %dma_wait3A_119 = tpu.memref_squeeze %dma_wait3A_118 : memref<1x1x128xi32, #tpu.memory_space<hbm>> -> memref<128xi32, #tpu.memory_space<hbm>>
    %dma_wait3A_120 = arith.constant 0 : i32
    %dma_wait3A_121 = tpu.memref_slice %arg6[%dma_wait3A_113, %dma_wait3A_120] : memref<4x128xi32, #tpu.memory_space<vmem>> -> memref<1x128xi32, #tpu.memory_space<vmem>>
    %dma_wait3A_122 = tpu.memref_squeeze %dma_wait3A_121 : memref<1x128xi32, #tpu.memory_space<vmem>> -> memref<128xi32, #tpu.memory_space<vmem>>
    %dma_wait3A_123 = arith.constant 0 : i32
    %dma_wait3A_124 = tpu.memref_slice %arg2[%add3A, %dma_wait3A_112, %dma_wait3A_123] : memref<32x80x128xi32, #tpu.memory_space<hbm>> -> memref<1x1x128xi32, #tpu.memory_space<hbm>>
    %dma_wait3A_125 = tpu.memref_squeeze %dma_wait3A_124 : memref<1x1x128xi32, #tpu.memory_space<hbm>> -> memref<128xi32, #tpu.memory_space<hbm>>
    tpu.wait_dma2 semaphore(%arg12 : memref<!tpu.dma_semaphore, #tpu.memory_space<semaphore_mem>>) src(%dma_wait3A_125 : memref<128xi32, #tpu.memory_space<hbm>>) dst(%dma_wait3A_122 : memref<128xi32, #tpu.memory_space<vmem>>)
    %run_scoped3A_126 = arith.constant 3 : i32
    "tpu.region"() ({
      %run_scoped3A_136 = tpu.sem_alloc : memref<!tpu.dma_semaphore, #tpu.memory_space<semaphore_mem>>
      %dma_start3A_137 = arith.constant 0 : i32
      %dma_start3A_138 = tpu.memref_slice %arg6[%run_scoped3A_126, %dma_start3A_137] : memref<4x128xi32, #tpu.memory_space<vmem>> -> memref<1x128xi32, #tpu.memory_space<vmem>>
      %dma_start3A_139 = tpu.memref_squeeze %dma_start3A_138 : memref<1x128xi32, #tpu.memory_space<vmem>> -> memref<128xi32, #tpu.memory_space<vmem>>
      %dma_start3A_140 = arith.constant 0 : i32
      %dma_start3A_141 = arith.constant 0 : i32
      %dma_start3A_142 = tpu.memref_slice %arg8[%dma_start3A_140, %dma_start3A_141] : memref<10240x128xf32, #tpu.memory_space<vmem_shared>> -> memref<10240x128xf32, #tpu.memory_space<vmem_shared>>
      tpu.enqueue_indirect_dma source(%arg7 : memref<128x128xf32, #tpu.memory_space<vmem>>) target(%dma_start3A_142 : memref<10240x128xf32, #tpu.memory_space<vmem_shared>>) offsets(%dma_start3A_139 : memref<128xi32, #tpu.memory_space<vmem>>) semaphore(%run_scoped3A_136 : memref<!tpu.dma_semaphore, #tpu.memory_space<semaphore_mem>>) {add = true}
      %dma_wait3A_143 = arith.constant 0 : i32
      %dma_wait3A_144 = tpu.memref_slice %arg6[%run_scoped3A_126, %dma_wait3A_143] : memref<4x128xi32, #tpu.memory_space<vmem>> -> memref<1x128xi32, #tpu.memory_space<vmem>>
      %dma_wait3A_145 = tpu.memref_squeeze %dma_wait3A_144 : memref<1x128xi32, #tpu.memory_space<vmem>> -> memref<128xi32, #tpu.memory_space<vmem>>
      %dma_wait3A_146 = arith.constant 0 : i32
      %dma_wait3A_147 = arith.constant 0 : i32
      %dma_wait3A_148 = tpu.memref_slice %arg8[%dma_wait3A_146, %dma_wait3A_147] : memref<10240x128xf32, #tpu.memory_space<vmem_shared>> -> memref<10240x128xf32, #tpu.memory_space<vmem_shared>>
      tpu.wait_indirect_dma semaphore(%run_scoped3A_136 : memref<!tpu.dma_semaphore, #tpu.memory_space<semaphore_mem>>) src(%arg7 : memref<128x128xf32, #tpu.memory_space<vmem>>) dst(%dma_wait3A_148 : memref<10240x128xf32, #tpu.memory_space<vmem_shared>>)
      tpu.yield
    }) : () -> ()
    %barrier3A_127 = arith.constant 0 : index
    tpu.barrier barrier_id(%barrier3A_127)
    %scan3A_128 = arith.constant 0 : i32
    %mul3A_129 = arith.constant 640 : i32
    %mul3A_130 = arith.muli %scan3A_128, %mul3A_129 : i32
    %add3A_131 = arith.constant 0 : i32
    %add3A_132 = arith.addi %add3A_131, %mul3A_130 : i32
    %add3A_133 = arith.addi %mul3A_57, %add3A_132 : i32
    %add3A_134 = arith.addi %mul3A_57, %add3A_132 : i32
    "tpu.region"() ({
      %run_scoped3A_136 = tpu.sem_alloc : memref<!tpu.dma_semaphore, #tpu.memory_space<semaphore_mem>>
      %dma_start3A_137 = arith.constant 0 : i32
      %dma_start3A_138 = tpu.memref_slice %arg5[%arg0, %add3A_134, %dma_start3A_137] : memref<2x10240x128xf32, #tpu.memory_space<hbm>> -> memref<1x640x128xf32, #tpu.memory_space<hbm>>
      %dma_start3A_139 = tpu.memref_squeeze %dma_start3A_138 : memref<1x640x128xf32, #tpu.memory_space<hbm>> -> memref<640x128xf32, #tpu.memory_space<hbm>>
      %dma_start3A_140 = arith.constant 0 : i32
      %dma_start3A_141 = tpu.memref_slice %arg8[%add3A_133, %dma_start3A_140] : memref<10240x128xf32, #tpu.memory_space<vmem_shared>> -> memref<640x128xf32, #tpu.memory_space<vmem_shared>>
      tpu.enqueue_dma source(%dma_start3A_141 : memref<640x128xf32, #tpu.memory_space<vmem_shared>>) target(%dma_start3A_139 : memref<640x128xf32, #tpu.memory_space<hbm>>) target_semaphore(%run_scoped3A_136 : memref<!tpu.dma_semaphore, #tpu.memory_space<semaphore_mem>>)
      %dma_wait3A_142 = arith.constant 0 : i32
      %dma_wait3A_143 = tpu.memref_slice %arg5[%arg0, %add3A_134, %dma_wait3A_142] : memref<2x10240x128xf32, #tpu.memory_space<hbm>> -> memref<1x640x128xf32, #tpu.memory_space<hbm>>
      %dma_wait3A_144 = tpu.memref_squeeze %dma_wait3A_143 : memref<1x640x128xf32, #tpu.memory_space<hbm>> -> memref<640x128xf32, #tpu.memory_space<hbm>>
      %dma_wait3A_145 = arith.constant 0 : i32
      %dma_wait3A_146 = tpu.memref_slice %arg8[%add3A_133, %dma_wait3A_145] : memref<10240x128xf32, #tpu.memory_space<vmem_shared>> -> memref<640x128xf32, #tpu.memory_space<vmem_shared>>
      tpu.wait_dma2 semaphore(%run_scoped3A_136 : memref<!tpu.dma_semaphore, #tpu.memory_space<semaphore_mem>>) src(%dma_wait3A_146 : memref<640x128xf32, #tpu.memory_space<vmem_shared>>) dst(%dma_wait3A_144 : memref<640x128xf32, #tpu.memory_space<hbm>>)
      tpu.yield
    }) : () -> ()
    %scan3A_135 = arith.constant 1 : i32
    return
  }
}

</mosaic_0001>

<sc_bundles>
// kernel: _sc_degree.3.cloned.1.call-start
scs
__scs_entry_jumppad:
0x0: {  	(pc) =	sbr.rel $0x88, $3  }
0x1: {  	(tag) =	ssettag $0x0;
	lr =	simm.s32 $0x1  }
0x2: {  	[smem:$0x3F9E] =	sst lr;
	_ =	strace $0xD0000000  }
0x3: {  	_ = 	snop  }
0x4: {  	_ = 	snop  }
0x5: {  	_ = 	snop  }
0x6: {  	_ = 	snop  }
0x7: {  	_ = 	snop  }
__scs_overlays_trampoline_lowered:
0x8: {  	[smem:$0x3FAD] =	sst s0  }
0x9: {  	[smem:$0x3FAE] =	sst s1  }
0xa: {  	[smem:$0x3FAF] =	sst s2  }
0xb: {  	[smem:$0x3FB0] =	sst s3  }
0xc: {  	[smem:$0x3FB1] =	sst s4  }
0xd: {  	[smem:$0x3FB2] =	sst s5  }
0xe: {  	[smem:$0x3FB3] =	sst s6  }
0xf: {  	[smem:$0x3FB4] =	sst s7  }
0x10: {  	[smem:$0x3FB5] =	sst s8  }
0x11: {  	[smem:$0x3FB6] =	sst s9;
	s0 =	simm.s32 @!p0 $0x0  }
0x12: {  	s1 =	sld [smem:$0x3F9C];
	s0 =	simm.s32 @p0 $0x1  }
0x13: {  	[smem:$0x3FB7] =	sst s0;
	s0 =	simm.s32 @!p1 $0x0  }
0x14: {  	s2 =	sld [smem:$0x3F9B];
	s0 =	simm.s32 @p1 $0x1  }
0x15: {  	[smem:$0x3FB8] =	sst s0;
	s0 =	simm.s32 @!p2 $0x0  }
0x16: {  	s3 =	sld [smem:$0x3FDB];
	s0 =	simm.s32 @p2 $0x1  }
0x17: {  	s4 =	simm.s32 $0x1BF5;
	[smem:$0x3FBA] =	sst s0  }
0x18: {  	s0 =	sld [smem:$0x3F9D];
	_ =	swait.ge [sflag:s4], $0x0  }
0x19: {  	s7 =	sld [smem:$0x3F9E]  }
0x1a: {  	s8 =	sadd.s32 $0xFFFFE003, lr  }
0x1b: {  	s9 =	sadd.s32 $0xFFFFFEF7, lr;
	s5 =	simm.s32 $0xFFFFFFFF;
	p2 =	slt.u32 s8, $0xFFFFF086  }
0x1c: {  	p1 =	slt.u32 s9, $0xF7A;
	s5 =	simm.s32 @!p2 $0x0  }
0x1d: {  	s5 =	simm.s32 @p1 $0x1;
	p0 =	seq.s32 s7, s2  }
0x1e: {  	s7 =	smul.u32 @!p0 $0xF7A, s2;
	p2 =	seq.s32 @!p0 s5, $0x0  }
0x1f: {  	s9 =	smul.u32 $0xF7A, s1;
	s8 =	simm.s32 @!p0 $0x1BF5;
	p2 =	por !p2, p0  }
0x20: {  	[sflag:s8] =	ssyncset.s32 @!p0 $0xFFFFF086;
	s6 =	sadd.s32 @!p0 s3, s7;
	s7 =	simm.s32 @!p0 $0x108  }
0x21: {  	s3 =	sadd.s32 s3, s9;
	s6 =	sadd.s32 @!p0 $0x88, s6;
	s7 =	simm.s32 @p2 $0x1082  }
0x22: {  	[simem:s7], [sflag:s8] =	dma.local @!p0 [hbm:s6], $0xF7A  }
0x23: {  	s9 =	sor.u32 $0xD0000000, s2;
	s6 =	simm.s32 $0x108;
	_ =	swait.ge @!p0 [sflag:s8], $0x0  }
0x24: {  	s3 =	sadd.s32 $0x88, s3;
	s6 =	simm.s32 @!p1 $0x1082;
	[sflag:s4] =	ssyncset.s32 $0xFFFFF086  }
0x25: {  	[simem:s6], [sflag:s4] =	dma.local [hbm:s3], $0xF7A  }
0x26: {  	[smem:$0x3F9E] =	sst s1;
	(tag) =	ssettag s2;
	_ =	strace s9  }
0x27: {  	s1 =	sld [smem:$0x3FAE]  }
0x28: {  	s2 =	sld [smem:$0x3FAF]  }
0x29: {  	s4 =	sld [smem:$0x3FB1]  }
0x2a: {  	p0 =	seq.s32 s5, $0x0;
	s5 =	sld [smem:$0x3FB2]  }
0x2b: {  	s6 =	sld [smem:$0x3FB3]  }
0x2c: {  	s7 =	sld [smem:$0x3FB4]  }
0x2d: {  	s3 =	simm.s32 $0x108;
	s8 =	sld [smem:$0x3FB5]  }
0x2e: {  	s3 =	simm.s32 @!p0 $0x1082;
	s9 =	sld [smem:$0x3FB6]  }
0x2f: {  	lr =	sadd.s32 s0, s3;
	s0 =	sld [smem:$0x3FAD]  }
0x30: {  	s3 =	sld [smem:$0x3FB0]  }
0x31: {  	[smem:$0x3FB9] =	sst s10  }
0x32: {  	s10 =	sld [smem:$0x3FB7];
	_ =	sdelay $0x3  }
0x33: {  	p0 =	seq.s32 s10, $0x1;
	s10 =	sld [smem:$0x3FB9];
	_ =	sdelay $0x3  }
0x34: {  	[smem:$0x3FB9] =	sst s10  }
0x35: {  	s10 =	sld [smem:$0x3FB8];
	_ =	sdelay $0x3  }
0x36: {  	p1 =	seq.s32 s10, $0x1;
	s10 =	sld [smem:$0x3FB9];
	_ =	sdelay $0x3  }
0x37: {  	[smem:$0x3FB9] =	sst s10  }
0x38: {  	s10 =	sld [smem:$0x3FBA]  }
0x39: {  	_ = 	snop;
	(pc) =	sbr.ind lr, $3  }
0x3a: {  	_ = 	snop  }
0x3b: {  	_ = 	snop  }
0x3c: {  	p2 =	seq.s32 s10, $0x1;
	s10 =	sld [smem:$0x3FB9]  }
0x3d: {  	_ =	shalt  }
0x3e: {  	_ =	shalt  }
0x3f: {  	_ =	shalt  }
0x40: {  	_ =	shalt  }
0x41: {  	_ =	shalt  }
0x42: {  	_ =	shalt  }
0x43: {  	_ =	shalt  }
0x44: {  	_ =	shalt  }
0x45: {  	_ =	shalt  }
0x46: {  	_ =	shalt  }
0x47: {  	_ =	shalt  }
0x48: {  	_ =	shalt  }
0x49: {  	_ =	shalt  }
0x4a: {  	_ =	shalt  }
0x4b: {  	_ =	shalt  }
0x4c: {  	_ =	shalt  }
0x4d: {  	_ =	shalt  }
0x4e: {  	_ =	shalt  }
0x4f: {  	_ =	shalt  }
0x50: {  	_ =	shalt  }
0x51: {  	_ =	shalt  }
0x52: {  	_ =	shalt  }
0x53: {  	_ =	shalt  }
0x54: {  	_ =	shalt  }
0x55: {  	_ =	shalt  }
0x56: {  	_ =	shalt  }
0x57: {  	_ =	shalt  }
0x58: {  	_ =	shalt  }
0x59: {  	_ =	shalt  }
0x5a: {  	_ =	shalt  }
0x5b: {  	_ =	shalt  }
0x5c: {  	_ =	shalt  }
0x5d: {  	_ =	shalt  }
0x5e: {  	_ =	shalt  }
0x5f: {  	_ =	shalt  }
0x60: {  	_ =	shalt  }
0x61: {  	_ =	shalt  }
0x62: {  	_ =	shalt  }
0x63: {  	_ =	shalt  }
0x64: {  	_ =	shalt  }
0x65: {  	_ =	shalt  }
0x66: {  	_ =	shalt  }
0x67: {  	_ =	shalt  }
0x68: {  	_ =	shalt  }
0x69: {  	_ =	shalt  }
0x6a: {  	_ =	shalt  }
0x6b: {  	_ =	shalt  }
0x6c: {  	_ =	shalt  }
0x6d: {  	_ =	shalt  }
0x6e: {  	_ =	shalt  }
0x6f: {  	_ =	shalt  }
0x70: {  	_ =	shalt  }
0x71: {  	_ =	shalt  }
0x72: {  	_ =	shalt  }
0x73: {  	_ =	shalt  }
0x74: {  	_ =	shalt  }
0x75: {  	_ =	shalt  }
0x76: {  	_ =	shalt  }
0x77: {  	_ =	shalt  }
0x78: {  	_ =	shalt  }
0x79: {  	_ =	shalt  }
0x7a: {  	_ =	shalt  }
0x7b: {  	_ =	shalt  }
0x7c: {  	_ =	shalt  }
0x7d: {  	_ =	shalt  }
0x7e: {  	_ =	shalt  }
0x7f: {  	_ =	shalt  }
0x80: {  	_ =	shalt  }
0x81: {  	_ =	shalt  }
0x82: {  	_ =	shalt  }
0x83: {  	_ =	shalt  }
0x84: {  	_ =	shalt  }
0x85: {  	_ =	shalt  }
0x86: {  	_ =	shalt  }
0x87: {  	_ =	shalt  }
.Lfunc_end0:
.L_simem_size_0:
called_computation_lowered:
.L_overlay_start_0:
0x88: {  	s2 =	sld [smem:$0x3FD9]  }
0x89: {  	s3 =	sld [smem:$0x3FFE];
	_ =	sdelay $0x1  }
0x8a: {  	s1 =	srdreg.scid  }
0x8b: {  	s0 =	sand.u32 $0x1, s1  }
0x8c: {  	s18 =	sshll.u32 s0, $0xA;
	s2 =	sadd.s32 s3, s2  }
0x8d: {  	s2 =	sadd.s32 s2, s18  }
0x8e: {  	[smem:$0x3FC5] =	sst s2  }
0x8f: {  	_ = 	snop  }
0x90: {  	s2 =	sld [smem:$0x3FC9]  }
0x91: {  	s19 =	sld [smem:$0x3FC8]  }
0x92: {  	s4 =	sld [smem:$0x3FC7]  }
0x93: {  	s5 =	sld [smem:$0x3FD0];
	(tm) =	ssettm $0x1  }
0x94: {  	s6 =	sld [smem:$0x3FFB];
	_ =	sdelay $0x3  }
0x95: {  	_ =	strace s6  }
0x96: {  	s6 =	sld [smem:$0x3FFC];
	_ =	sdelay $0x3  }
0x97: {  	_ =	strace s6  }
0x98: {  	s6 =	sld [smem:$0x3FFD];
	_ =	sdelay $0x3  }
0x99: {  	_ =	strace s6  }
0x9a: {  	_ =	strace $0x8FFFFFFF  }
0x9b: {  	s20 =	sld [smem:$0x3FDB];
	_ =	sdelay $0x1  }
0x9c: {  	s7 =	simm.s32 $_scs_section_size  }
0x9d: {  	s8 =	simm.s32 $_size__tile_overlayer_lowered;
	s9 =	simm.s32 $_tile_overlayer_lowered  }
0x9e: {  	s23 =	simm.s32 $0x1BFF;
	s22 =	sshll.u32 s9, $0x1;
	s6 =	sadd.s32 s7, s20  }
0x9f: {  	s10 =	simm.s32 $0x0;
	s21 =	sshll.u32 s8, $0x1;
	s8 =	sadd.s32 s22, s6  }
0xa0: {  	[timem:s10], [sflag:s23] =	dma.local [hbm:s8], s21  }
0xa1: {  	_ =	swait.ge [sflag:s23], s21  }
0xa2: {  	s7 =	ssub.s32 $0x0, s21;
	[sflag:s23] =	ssyncset.done $0x0  }
0xa3: {  	[sflag:s23] =	ssyncadd.s32 s7;
	_ =	sdelay $0x1  }
0xa4: {  	s24 =	simm.s32 $0x1B8B  }
0xa5: {  	_ =	swait.ge [sflag:s24], $0x1  }
0xa6: {  	[sflag:s24] =	ssyncset.done $0x0  }
0xa7: {  	s25 =	simm.s32 $0x1B8E;
	[sflag:s24] =	ssyncadd.s32 $0xFFFFFFFF  }
0xa8: {  	s26 =	simm.s32 $execute0_lowered;
	[smem:$0x3FD2] =	sst s25  }
0xa9: {  	s7 =	sshll.u32 s26, $0x1;
	_ =	strace $0x80000046;
	[dreg:$0x1] =	wrdreg $0xFFFFFFFF  }
0xaa: {  	s28 =	simm.s32 $_size_execute0_lowered;
	s6 =	sadd.s32 s6, s7;
	[dreg:$0x0] =	wrdreg $0x0  }
0xab: {  	s7 =	sshll.u32 s28, $0x1;
	[dreg:$0x2] =	wrdreg s6  }
0xac: {  	[dreg:$0x3] =	wrdreg s7  }
0xad: {  	[dreg:$0x4] =	wrdreg $0xC0  }
0xae: {  	_ =	task [dreg:s10], $0x5FFFF  }
0xaf: {  	[dreg:$0x1] =	wrdreg $0xFFFFFFFF  }
0xb0: {  	[dreg:$0x0] =	wrdreg $0x60  }
0xb1: {  	[dreg:$0x2] =	wrdreg s2  }
0xb2: {  	[dreg:$0x3] =	wrdreg s19  }
0xb3: {  	[dreg:$0x4] =	wrdreg s4  }
0xb4: {  	[dreg:$0x5] =	wrdreg s5  }
0xb5: {  	[dreg:$0x6] =	wrdreg $0x42000  }
0xb6: {  	[dreg:$0x7] =	wrdreg $0x9  }
0xb7: {  	_ =	task.clear_ibuf [dreg:s10], $0x8FFFF;
	_ =	strace $0x90000046  }
0xb8: {  	s29 =	simm.s32 $0x9;
	_ =	strace $0x80000048  }
0xb9: {  	_ =	swait.ge [sflag:s29], $0x1  }
0xba: {  	[sflag:s29] =	ssyncadd.s32 $0xFFFFFFFF  }
0xbb: {  	_ =	strace $0x90000048  }
0xbc: {  	_ =	sfence  }
0xbd: {  	s30 =	sld [smem:$0x0];
	_ =	sdelay $0x2  }
0xbe: {  	s31 =	sshll.u32 s1, $0xD;
	s1 =	sshrl.u32 s1, $0x2  }
0xbf: {  	s3 =	sand.u32 $0x4000, s31;
	s1 =	sadd.s32 s1, s30  }
0xc0: {  	s0 =	sor.u32 s3, s0;
	s1 =	sshll.u32 s1, $0x11  }
0xc1: {  	s0 =	sor.u32 s1, s0  }
0xc2: {  	s0 =	sadd.s32 $0x8F2B, s0  }
0xc3: {  	[sflag:s0] =	ssyncadd.remote.s32 $0x1  }
0xc4: {  	_ =	sfence.sel $0xFFFF  }
0xc5: {  	[dreg:$0x0] =	wrdreg $0xFFFFFFFF;
	(pc) =	sbr.abs _section_cstart, $3  }
0xc6: {  	[dreg:$0x1] =	wrdreg $0xFFFFFFFF  }
0xc7: {  	_ =	task.clear_ibuf [dreg:s10], $0x2FFFF;
	_ =	strace $0x9FFFFFFF  }
0xc8: {  	(tm) =	ssettm $0x7FFFFFFF  }
0xc9: {  	_ =	shalt  }
tec
execute0_lowered:
.L_overlay_start_1:
0x0: {  	(tag) =	ssettag $0x1  }
0x1: {  	s0 =	rddreg [dreg:$0x0]  }
0x2: {  	s1 =	rddreg [dreg:$0x1]  }
0x3: {  	s3 =	rddreg [dreg:$0x2]  }
0x4: {  	s12 =	rddreg [dreg:$0x3]  }
0x5: {  	s2 =	srdreg.scid;
	s5 =	rddreg [dreg:$0x4]  }
0x6: {  	s6 =	simm.s32 $0x0;
	s17 =	simm.s32 $0x200;
	s18 =	simm.s32 $0x5  }
0x7: {  	s21 =	simm.s32 $0x1;
	s22 =	simm.s32 $0x2;
	s23 =	simm.s32 $0x3  }
0x8: {  	s24 =	simm.s32 $0x4;
	s8 =	sand.u32 $0x1, s2;
	s2 =	stileid.u32  }
0x9: {  	s25 =	simm.s32 $0x0;
	[smem:$0x7FF] =	sst s6;
	s11 =	smul.u32 $0x50000, s2  }
0xa: {  	s4 =	sshll.u32 s8, $0x4;
	s9 =	ssub.s32 $0x2, s8;
	s13 =	smul.u32 $0x140000, s8  }
0xb: {  	s15 =	smul.u32 $0x14000, s2;
	s19 =	sshll.u32 s2, $0x6;
	s7 =	sor.u32 s2, s4  }
0xc: {  	s4 =	rddreg [dreg:$0x5];
	s14 =	sshrl.u32 s9, $0x1;
	_ =	strace $0x80000047  }
0xd: {  	s19 =	sor.u32 $0x1C05, s19;
	s7 =	smul.u32 $0x2800, s7;
	s14 =	ssub.s32 s9, s14  }
0xe: {  	s16 =	sshrl.u32 s11, $0x2;
	s13 =	sadd.s32 s15, s13;
	s15 =	simm.s32 $0x100  }
0xf: {  	s20 =	sadd.s32 s16, s5;
	s13 =	sshrl.u32 s13, $0x3;
	s16 =	simm.s32 $0x180  }
0x10: {  	s10 =	sshrl.u32 s7, $0x3;
	s12 =	sadd.s32 s12, s13;
	s13 =	smax.u32 s14, $0x1  }
0x11: {  	s14 =	simm.s32 $0x80;
	s20 =	sshrl.u32 s20, $0x3;
	s8 =	sadd.s32 s0, s10  }
0x12: {  	s9 =	sadd.s32 $0x10, s8;
	s10 =	sadd.s32 $0x20, s8;
	s11 =	sadd.s32 $0x30, s8  }
.LBB2_1:
0x13: {  	[tilespmem:s6], [sflag:$0x1] =	stream.linear.gather [hbm4b:s8+s6], $0x80, $0x38;
	[tilespmem:$0x18200] =	vst v63  }
0x14: {  	_ = 	snop  }
0x15: {  	[tilespmem:s14], [sflag:$0x2] =	stream.linear.gather [hbm4b:s9+s6], $0x80, $0x38;
	[tilespmem:$0x18200] =	vst v63  }
0x16: {  	_ = 	snop  }
0x17: {  	[tilespmem:s15], [sflag:$0x3] =	stream.linear.gather [hbm4b:s10+s6], $0x80, $0x38;
	[tilespmem:$0x18200] =	vst v63  }
0x18: {  	_ = 	snop  }
0x19: {  	[tilespmem:s16], [sflag:$0x4] =	stream.linear.gather [hbm4b:s11+s6], $0x80, $0x38;
	[tilespmem:$0x18200] =	vst v63  }
0x1a: {  	_ = 	snop  }
0x1b: {  	[tilespmem:s17], [sflag:$0x5] =	stream.linear.gather [hbm4b:s3+s6], $0x4000, $0x38;
	[tilespmem:$0x18200] =	vst v63  }
0x1c: {  	_ =	swait.ge [sflag:s18], $0x4000  }
0x1d: {  	[sflag:s18] =	ssyncset.done $0x0  }
0x1e: {  	[sflag:s18] =	ssyncadd.s32 $0xFFFFC000  }
0x1f: {  	[spmem:s20], [sflag:s19] =	dma.local [hbm:s1], $0x2800  }
0x20: {  	_ =	swait.ge [sflag:s18], $0x2800  }
0x21: {  	[sflag:s18] =	ssyncset.done $0x0  }
0x22: {  	[sflag:s18] =	ssyncadd.s32 $0xFFFFD800  }
0x23: {  	[bflag:$0x0] =	sbarrier.arrive $0xFFFF  }
0x24: {  	s26 =	simm.s32 $0x200;
	_ =	swait.ge [sflag:s21], $0x80  }
0x25: {  	s28 =	sand.u32 $0x7C00, s26;
	[sflag:s21] =	ssyncset.done $0x0  }
0x26: {  	s26 =	sand.u32 $0x200, s26;
	s28 =	sadd.s32 s7, s28;
	[sflag:s21] =	ssyncadd.s32 $0xFFFFFF80  }
0x27: {  	[spmem:s5] =	stream.indirect.scatter.add.f32 [tilespmem:s17], [sflag:$0x5], $0x80, s6, s14, $0xb8;
	[tilespmem:$0x18200] =	vst v63  }
0x28: {  	s26 =	sor.u32 s26, s28;
	_ =	swait.ge [sflag:s18], $0x4000  }
0x29: {  	s26 =	sshrl.u32 s26, $0x3;
	[sflag:s18] =	ssyncset.done $0x0  }
0x2a: {  	s26 =	sadd.s32 s0, s26;
	[sflag:s18] =	ssyncadd.s32 $0xFFFFC000  }
0x2b: {  	[tilespmem:s6], [sflag:$0x1] =	stream.linear.gather [hbm4b:s26+s6], $0x80, $0x38;
	[tilespmem:$0x18200] =	vst v63  }
0x2c: {  	s29 =	simm.s32 $0x280;
	_ =	swait.ge [sflag:s22], $0x80  }
0x2d: {  	s28 =	sand.u32 $0x7C00, s29;
	[sflag:s22] =	ssyncset.done $0x0  }
0x2e: {  	s28 =	sadd.s32 s7, s28;
	s26 =	sand.u32 $0x280, s29;
	[sflag:s22] =	ssyncadd.s32 $0xFFFFFF80  }
0x2f: {  	[spmem:s5] =	stream.indirect.scatter.add.f32 [tilespmem:s17], [sflag:$0x5], $0x80, s14, s14, $0xb8;
	[tilespmem:$0x18200] =	vst v63  }
0x30: {  	s26 =	sor.u32 s26, s28;
	_ =	swait.ge [sflag:s18], $0x4000  }
0x31: {  	s26 =	sshrl.u32 s26, $0x3;
	[sflag:s18] =	ssyncset.done $0x0  }
0x32: {  	s26 =	sadd.s32 s0, s26;
	[sflag:s18] =	ssyncadd.s32 $0xFFFFC000  }
0x33: {  	[tilespmem:s14], [sflag:$0x2] =	stream.linear.gather [hbm4b:s26+s6], $0x80, $0x38;
	[tilespmem:$0x18200] =	vst v63  }
0x34: {  	s30 =	simm.s32 $0x300;
	_ =	swait.ge [sflag:s23], $0x80  }
0x35: {  	s28 =	sand.u32 $0x7C00, s30;
	[sflag:s23] =	ssyncset.done $0x0  }
0x36: {  	s28 =	sadd.s32 s7, s28;
	s26 =	sand.u32 $0x300, s30;
	[sflag:s23] =	ssyncadd.s32 $0xFFFFFF80  }
0x37: {  	[spmem:s5] =	stream.indirect.scatter.add.f32 [tilespmem:s17], [sflag:$0x5], $0x80, s15, s14, $0xb8;
	[tilespmem:$0x18200] =	vst v63  }
0x38: {  	s26 =	sor.u32 s26, s28;
	_ =	swait.ge [sflag:s18], $0x4000  }
0x39: {  	s26 =	sshrl.u32 s26, $0x3;
	[sflag:s18] =	ssyncset.done $0x0  }
0x3a: {  	s26 =	sadd.s32 s0, s26;
	[sflag:s18] =	ssyncadd.s32 $0xFFFFC000  }
0x3b: {  	[tilespmem:s15], [sflag:$0x3] =	stream.linear.gather [hbm4b:s26+s6], $0x80, $0x38;
	[tilespmem:$0x18200] =	vst v63  }
0x3c: {  	s31 =	simm.s32 $0x380;
	_ =	swait.ge [sflag:s24], $0x80  }
0x3d: {  	s28 =	sand.u32 $0x7C00, s31;
	[sflag:s24] =	ssyncset.done $0x0  }
0x3e: {  	s28 =	sadd.s32 s7, s28;
	s26 =	sand.u32 $0x380, s31;
	[sflag:s24] =	ssyncadd.s32 $0xFFFFFF80  }
0x3f: {  	[spmem:s5] =	stream.indirect.scatter.add.f32 [tilespmem:s17], [sflag:$0x5], $0x80, s16, s14, $0xb8;
	[tilespmem:$0x18200] =	vst v63  }
0x40: {  	s28 =	sor.u32 s26, s28;
	_ =	swait.ge [sflag:s18], $0x4000  }
0x41: {  	s26 =	simm.s32 $0x580;
	s28 =	sshrl.u32 s28, $0x3;
	[sflag:s18] =	ssyncset.done $0x0  }
.LBB2_2:
0x42: {  	p0 =	sne.s32 s26, $0x2780  }
0x43: {  	[sflag:s18] =	ssyncadd.s32 $0xFFFFC000;
	s29 =	sadd.s32 s0, s28;
	s28 =	smov.u32 s26  }
0x44: {  	[tilespmem:s16], [sflag:$0x4] =	stream.linear.gather [hbm4b:s29+s6], $0x80, $0x38;
	[tilespmem:$0x18200] =	vst v63  }
0x45: {  	s26 =	sadd.s32 $0x200, s26;
	s29 =	sadd.s32 $0xFFFFFE80, s28;
	_ =	swait.ge [sflag:s21], $0x80  }
0x46: {  	s30 =	sand.u32 $0x7C00, s29;
	s29 =	sand.u32 $0x200, s29;
	[sflag:s21] =	ssyncset.done $0x0  }
0x47: {  	s30 =	sadd.s32 s7, s30;
	[sflag:s21] =	ssyncadd.s32 $0xFFFFFF80  }
0x48: {  	[spmem:s5] =	stream.indirect.scatter.add.f32 [tilespmem:s17], [sflag:$0x5], $0x80, s6, s14, $0xb8;
	[tilespmem:$0x18200] =	vst v63  }
0x49: {  	s29 =	sor.u32 s29, s30;
	_ =	swait.ge [sflag:s18], $0x4000  }
0x4a: {  	s29 =	sshrl.u32 s29, $0x3;
	[sflag:s18] =	ssyncset.done $0x0  }
0x4b: {  	s29 =	sadd.s32 s0, s29;
	[sflag:s18] =	ssyncadd.s32 $0xFFFFC000  }
0x4c: {  	[tilespmem:s6], [sflag:$0x1] =	stream.linear.gather [hbm4b:s29+s6], $0x80, $0x38;
	[tilespmem:$0x18200] =	vst v63  }
0x4d: {  	s29 =	sadd.s32 $0xFFFFFF00, s28;
	_ =	swait.ge [sflag:s22], $0x80  }
0x4e: {  	s30 =	sand.u32 $0x7C00, s29;
	s29 =	sand.u32 $0x280, s29;
	[sflag:s22] =	ssyncset.done $0x0  }
0x4f: {  	s30 =	sadd.s32 s7, s30;
	[sflag:s22] =	ssyncadd.s32 $0xFFFFFF80  }
0x50: {  	[spmem:s5] =	stream.indirect.scatter.add.f32 [tilespmem:s17], [sflag:$0x5], $0x80, s14, s14, $0xb8;
	[tilespmem:$0x18200] =	vst v63  }
0x51: {  	s29 =	sor.u32 s29, s30;
	_ =	swait.ge [sflag:s18], $0x4000  }
0x52: {  	s29 =	sshrl.u32 s29, $0x3;
	[sflag:s18] =	ssyncset.done $0x0  }
0x53: {  	s29 =	sadd.s32 s0, s29;
	[sflag:s18] =	ssyncadd.s32 $0xFFFFC000  }
0x54: {  	[tilespmem:s14], [sflag:$0x2] =	stream.linear.gather [hbm4b:s29+s6], $0x80, $0x38;
	[tilespmem:$0x18200] =	vst v63  }
0x55: {  	s29 =	sadd.s32 $0xFFFFFF80, s28;
	_ =	swait.ge [sflag:s23], $0x80  }
0x56: {  	s30 =	sand.u32 $0x7C00, s29;
	s29 =	sand.u32 $0x300, s29;
	[sflag:s23] =	ssyncset.done $0x0  }
0x57: {  	s30 =	sadd.s32 s7, s30;
	[sflag:s23] =	ssyncadd.s32 $0xFFFFFF80  }
0x58: {  	[spmem:s5] =	stream.indirect.scatter.add.f32 [tilespmem:s17], [sflag:$0x5], $0x80, s15, s14, $0xb8;
	[tilespmem:$0x18200] =	vst v63  }
0x59: {  	s29 =	sor.u32 s29, s30;
	_ =	swait.ge [sflag:s18], $0x4000  }
0x5a: {  	s29 =	sshrl.u32 s29, $0x3;
	[sflag:s18] =	ssyncset.done $0x0  }
0x5b: {  	s29 =	sadd.s32 s0, s29;
	[sflag:s18] =	ssyncadd.s32 $0xFFFFC000  }
0x5c: {  	[tilespmem:s15], [sflag:$0x3] =	stream.linear.gather [hbm4b:s29+s6], $0x80, $0x38;
	[tilespmem:$0x18200] =	vst v63  }
0x5d: {  	_ =	swait.ge [sflag:s24], $0x80  }
.Ltmp0:
0x5e: {  	s29 =	sand.u32 $0x7C00, s28;
	[sflag:s24] =	ssyncset.done $0x0;
	(pc) =	sbr.rel @p0 .LBB2_2-.Ltmp0, $4  }
0x5f: {  	s28 =	sand.u32 $0x380, s28;
	s29 =	sadd.s32 s7, s29;
	[sflag:s24] =	ssyncadd.s32 $0xFFFFFF80  }
0x60: {  	[spmem:s5] =	stream.indirect.scatter.add.f32 [tilespmem:s17], [sflag:$0x5], $0x80, s16, s14, $0xb8;
	[tilespmem:$0x18200] =	vst v63  }
0x61: {  	s28 =	sor.u32 s28, s29;
	_ =	swait.ge [sflag:s18], $0x4000  }
0x62: {  	s28 =	sshrl.u32 s28, $0x3;
	[sflag:s18] =	ssyncset.done $0x0  }
0x63: {  	[sflag:s18] =	ssyncadd.s32 $0xFFFFC000;
	s26 =	sadd.s32 s0, s28  }
0x64: {  	[tilespmem:s16], [sflag:$0x4] =	stream.linear.gather [hbm4b:s26+s6], $0x80, $0x38;
	[tilespmem:$0x18200] =	vst v63  }
0x65: {  	_ =	swait.ge [sflag:s21], $0x80  }
0x66: {  	[sflag:s21] =	ssyncset.done $0x0  }
0x67: {  	[sflag:s21] =	ssyncadd.s32 $0xFFFFFF80  }
0x68: {  	[spmem:s5] =	stream.indirect.scatter.add.f32 [tilespmem:s17], [sflag:$0x5], $0x80, s6, s14, $0xb8;
	[tilespmem:$0x18200] =	vst v63  }
0x69: {  	_ =	swait.ge [sflag:s18], $0x4000  }
0x6a: {  	[sflag:s18] =	ssyncset.done $0x0  }
0x6b: {  	[sflag:s18] =	ssyncadd.s32 $0xFFFFC000  }
0x6c: {  	_ =	swait.ge [sflag:s22], $0x80  }
0x6d: {  	[sflag:s22] =	ssyncset.done $0x0  }
0x6e: {  	[sflag:s22] =	ssyncadd.s32 $0xFFFFFF80  }
0x6f: {  	[spmem:s5] =	stream.indirect.scatter.add.f32 [tilespmem:s17], [sflag:$0x5], $0x80, s14, s14, $0xb8;
	[tilespmem:$0x18200] =	vst v63  }
0x70: {  	_ =	swait.ge [sflag:s18], $0x4000  }
0x71: {  	[sflag:s18] =	ssyncset.done $0x0  }
0x72: {  	[sflag:s18] =	ssyncadd.s32 $0xFFFFC000  }
0x73: {  	_ =	swait.ge [sflag:s23], $0x80  }
0x74: {  	[sflag:s23] =	ssyncset.done $0x0  }
0x75: {  	[sflag:s23] =	ssyncadd.s32 $0xFFFFFF80  }
0x76: {  	[spmem:s5] =	stream.indirect.scatter.add.f32 [tilespmem:s17], [sflag:$0x5], $0x80, s15, s14, $0xb8;
	[tilespmem:$0x18200] =	vst v63  }
0x77: {  	_ =	swait.ge [sflag:s18], $0x4000  }
0x78: {  	[sflag:s18] =	ssyncset.done $0x0  }
0x79: {  	[sflag:s18] =	ssyncadd.s32 $0xFFFFC000  }
0x7a: {  	_ =	swait.ge [sflag:s24], $0x80  }
0x7b: {  	[sflag:s24] =	ssyncset.done $0x0  }
0x7c: {  	[sflag:s24] =	ssyncadd.s32 $0xFFFFFF80  }
0x7d: {  	[spmem:s5] =	stream.indirect.scatter.add.f32 [tilespmem:s17], [sflag:$0x5], $0x80, s16, s14, $0xb8;
	[tilespmem:$0x18200] =	vst v63  }
0x7e: {  	_ =	swait.ge [sflag:s18], $0x4000  }
0x7f: {  	s25 =	sadd.s32 $0x1, s25;
	[sflag:s18] =	ssyncset.done $0x0  }
0x80: {  	p0 =	sne.s32 s25, s13;
	[sflag:s18] =	ssyncadd.s32 $0xFFFFC000  }
.Ltmp1:
0x81: {  	[bflag:$0x0] =	sbarrier.arrive $0xFFFF;
	(pc) =	sbr.rel @p0 .LBB2_1-.Ltmp1, $4  }
0x82: {  	[hbm:s12], [sflag:s19] =	dma.local [spmem:s20], $0x2800  }
0x83: {  	_ =	swait.ge [sflag:s18], $0x2800  }
0x84: {  	[sflag:s18] =	ssyncset.done $0x0  }
0x85: {  	[sflag:s18] =	ssyncadd.s32 $0xFFFFD800  }
0x86: {  	_ =	sfence.sel $0x180000  }
0x87: {  	[bflag:$0x0] =	sbarrier.arrive $0xFFFF  }
0x88: {  	p0 =	sne.s32 s2, $0x0;
	_ =	strace $0x90000047  }
0x89: {  	s0 =	sadd.s32 @!p0 $0x100000, s4;
	[bflag:$0x2] =	sbarrier.arrive $0xFFFF  }
0x8a: {  	[sflag:s0] =	ssyncadd.tile.s32 @!p0 $0x1;
	_ =	shalt  }
.Lfunc_end2:
_tile_overlayer_lowered:
.L_overlay_start_2:
0x8b: {  	(tag) =	ssettag $0x2  }
0x8c: {  	s0 =	rddreg [dreg:$0x0];
	s2 =	stileid.u32  }
0x8d: {  	s1 =	rddreg [dreg:$0x1];
	p0 =	sne.s32 s2, $0x0  }
0x8e: {  	s3 =	rddreg [dreg:$0x2];
	[bflag:$0x3] =	sbarrier.arrive $0xFFFF;
	s2 =	simm.s32 @!p0 $0x1C05  }
0x8f: {  	[timem:s3], [sflag:s2] =	dma.local @!p0 [hbm:s0], s1  }
0x90: {  	s0 =	simm.s32 @!p0 $0x5  }
0x91: {  	_ =	swait.ge @!p0 [sflag:s0], s1  }
0x92: {  	s1 =	ssub.s32 @!p0 $0x0, s1;
	[sflag:s0] =	ssyncset.done @!p0 $0x0  }
0x93: {  	[sflag:s0] =	ssyncadd.s32 @!p0 s1  }
0x94: {  	[bflag:$0x3] =	sbarrier.arrive $0xFFFF  }
0x95: {  	_ =	shalt  }

</sc_bundles>
